<compile_context>
chip_gen: v7x
topology: tpu7x:2x2x1
jax: 0.10.2.dev20260603
libtpu: 0.0.44.dev20260713+nightly
codegen_flags: <defaults>
</compile_context>

<pallas_src>
import functools

import jax
import jax.numpy as jnp
from jax import lax
from jax.experimental import pallas as pl
from jax.experimental.pallas import tpu as pltpu
from jax.experimental.pallas import tpu_sc as plsc

N_NODES = 10000
N_PAD = 10240
N_EDGES = 320000
NC = 2
NS = 16
L = 16
NW = NC * NS
CHUNK = 128
TOTCH = N_EDGES // CHUNK
RPT = N_PAD // NS


def _segsum_body(D, with_cnt, *refs):
    if with_cnt:
        (x_hbm, src_hbm, dst_hbm, agg_hbm, cnt_hbm, acc_sh, cnt_sh,
         idx_s0, idx_s1, idx_d0, idx_d1, rows0, rows1, ones,
         sem0, sem1, isem0, isem1) = refs
    else:
        (x_hbm, src_hbm, dst_hbm, agg_hbm, acc_sh,
         idx_s0, idx_s1, idx_d0, idx_d1, rows0, rows1,
         sem0, sem1, isem0, isem1) = refs

    cid = lax.axis_index("c")
    sid = lax.axis_index("s")
    wid = sid * NC + cid

    nch = (TOTCH - wid + NW - 1) // NW

    def _pf_idx(c, idx_s, idx_d, isem):
        off = pl.multiple_of((wid + c * NW) * CHUNK, CHUNK)
        pltpu.async_copy(src_hbm.at[pl.ds(off, CHUNK)], idx_s, isem)
        pltpu.async_copy(dst_hbm.at[pl.ds(off, CHUNK)], idx_d, isem)

    def _wait_idx(c, idx_s, idx_d, isem):
        off = pl.multiple_of((wid + c * NW) * CHUNK, CHUNK)
        pltpu.make_async_copy(src_hbm.at[pl.ds(off, CHUNK)], idx_s, isem).wait()
        pltpu.make_async_copy(dst_hbm.at[pl.ds(off, CHUNK)], idx_d, isem).wait()

    def _gather(idx_s, rows, gsem):
        pltpu.async_copy(x_hbm.at[idx_s], rows, gsem)

    def _scatter(idx_s, idx_d, rows, gsem):
        pltpu.make_async_copy(x_hbm.at[idx_s], rows, gsem).wait()
        pltpu.sync_copy(rows, acc_sh.at[idx_d], add=True)
        if with_cnt:
            pltpu.sync_copy(ones, cnt_sh.at[idx_d], add=True)

    _pf_idx(0, idx_s0, idx_d0, isem0)
    _pf_idx(1, idx_s1, idx_d1, isem1)

    zvec = jnp.zeros((L,), jnp.float32)

    def zfill(i, _):
        for j in range(D // L):
            rows0[i, pl.ds(j * L, L)] = zvec
        if with_cnt:
            ones[i, pl.ds(0, L)] = zvec
        return 0

    lax.fori_loop(0, CHUNK, zfill, 0)

    base = sid * RPT
    for r in range(RPT // CHUNK):
        pltpu.sync_copy(rows0, acc_sh.at[pl.ds(base + r * CHUNK, CHUNK), :])
        if with_cnt:
            pltpu.sync_copy(ones, cnt_sh.at[pl.ds(base + r * CHUNK, CHUNK), :])

    if with_cnt:
        def ofill(i, _):
            ones[i, pl.ds(0, L)] = jnp.ones((L,), jnp.float32)
            return 0

        lax.fori_loop(0, CHUNK, ofill, 0)

    _wait_idx(0, idx_s0, idx_d0, isem0)
    _gather(idx_s0, rows0, sem0)

    plsc.subcore_barrier()

    def pair_body(p, _):
        c0 = 2 * p
        c1, c2, c3 = c0 + 1, c0 + 2, c0 + 3

        @pl.when(c1 < nch)
        def _():
            _wait_idx(c1, idx_s1, idx_d1, isem1)
            _gather(idx_s1, rows1, sem1)

        _scatter(idx_s0, idx_d0, rows0, sem0)

        @pl.when(c2 < nch)
        def _():
            _pf_idx(c2, idx_s0, idx_d0, isem0)

        @pl.when(c1 < nch)
        def _():
            @pl.when(c2 < nch)
            def _():
                _wait_idx(c2, idx_s0, idx_d0, isem0)
                _gather(idx_s0, rows0, sem0)

            _scatter(idx_s1, idx_d1, rows1, sem1)

            @pl.when(c3 < nch)
            def _():
                _pf_idx(c3, idx_s1, idx_d1, isem1)

        return 0

    lax.fori_loop(0, (nch + 1) // 2, pair_body, 0)

    plsc.subcore_barrier()

    pltpu.sync_copy(acc_sh.at[pl.ds(base, RPT), :],
                    agg_hbm.at[cid, pl.ds(base, RPT), :])
    if with_cnt:
        pltpu.sync_copy(cnt_sh.at[pl.ds(base, RPT), :],
                        cnt_hbm.at[cid, pl.ds(base, RPT), :])


def _make_segsum(D, with_cnt):
    mesh = plsc.VectorSubcoreMesh(core_axis_name="c", subcore_axis_name="s")
    out_type = [jax.ShapeDtypeStruct((NC, N_PAD, D), jnp.float32)]
    scratch = [pltpu.VMEM_SHARED((N_PAD, D), jnp.float32)]
    if with_cnt:
        out_type.append(jax.ShapeDtypeStruct((NC, N_PAD, L), jnp.float32))
        scratch.append(pltpu.VMEM_SHARED((N_PAD, L), jnp.float32))
    scratch += [
        pltpu.VMEM((CHUNK,), jnp.int32),
        pltpu.VMEM((CHUNK,), jnp.int32),
        pltpu.VMEM((CHUNK,), jnp.int32),
        pltpu.VMEM((CHUNK,), jnp.int32),
        pltpu.VMEM((CHUNK, D), jnp.float32),
        pltpu.VMEM((CHUNK, D), jnp.float32),
    ]
    if with_cnt:
        scratch.append(pltpu.VMEM((CHUNK, L), jnp.float32))
    scratch += [
        pltpu.SemaphoreType.DMA,
        pltpu.SemaphoreType.DMA,
        pltpu.SemaphoreType.DMA,
        pltpu.SemaphoreType.DMA,
    ]
    return pl.kernel(
        functools.partial(_segsum_body, D, with_cnt),
        out_type=out_type,
        mesh=mesh,
        scratch_types=scratch,
        compiler_params=pltpu.CompilerParams(use_tc_tiling_on_sc=False),
        name=f"sc_segsum_d{D}",
    )


_segsum128c = _make_segsum(128, True)
_segsum64 = _make_segsum(64, False)






_BR = 1000


def _tc1_body(x_r, agg_r, cnt_r, w1l_r, b1_r, w1r_r, w2l_r, h1_r, p2_r):
    a = agg_r[0] + agg_r[1]
    c = cnt_r[0, :, 0:1] + cnt_r[1, :, 0:1]
    mean = a / jnp.maximum(c, 1.0)
    z = (jnp.dot(mean, w1l_r[...], preferred_element_type=jnp.float32)
         + b1_r[...]
         + jnp.dot(x_r[...], w1r_r[...], preferred_element_type=jnp.float32))
    h1 = jnp.maximum(z, 0.0)
    h1_r[...] = h1
    p2_r[...] = jnp.dot(h1, w2l_r[...], preferred_element_type=jnp.float32)


def _tc2_body(h1_r, agg_r, cnt_r, w2r_r, b2_r, w3_r, b3_r, out_r):
    a = agg_r[0] + agg_r[1]
    c = cnt_r[0, :, 0:1] + cnt_r[1, :, 0:1]
    mean = a / jnp.maximum(c, 1.0)
    z = (mean
         + b2_r[...]
         + jnp.dot(h1_r[...], w2r_r[...], preferred_element_type=jnp.float32))
    h2 = jnp.maximum(z, 0.0)
    out_r[...] = jnp.dot(h2, w3_r[...], preferred_element_type=jnp.float32) + b3_r[...]


def _full(shape):
    return pl.BlockSpec(shape, lambda i: tuple(0 for _ in shape))


def _tc1(x, aggp, cntp, W1l, b1, W1r, W2l):
    grid = N_NODES // _BR
    return pl.pallas_call(
        _tc1_body,
        grid=(grid,),
        in_specs=[
            pl.BlockSpec((_BR, 128), lambda i: (i, 0)),
            pl.BlockSpec((NC, _BR, 128), lambda i: (0, i, 0)),
            pl.BlockSpec((NC, _BR, L), lambda i: (0, i, 0)),
            _full((128, 128)),
            _full((1, 128)),
            _full((128, 128)),
            _full((128, 64)),
        ],
        out_specs=[
            pl.BlockSpec((_BR, 128), lambda i: (i, 0)),
            pl.BlockSpec((_BR, 64), lambda i: (i, 0)),
        ],
        out_shape=[
            jax.ShapeDtypeStruct((N_NODES, 128), jnp.float32),
            jax.ShapeDtypeStruct((N_NODES, 64), jnp.float32),
        ],
    )(x, aggp, cntp, W1l, b1.reshape(1, 128), W1r, W2l)


def _tc2(h1, aggp, cntp, W2r, b2, W3, b3):
    grid = N_NODES // _BR
    return pl.pallas_call(
        _tc2_body,
        grid=(grid,),
        in_specs=[
            pl.BlockSpec((_BR, 128), lambda i: (i, 0)),
            pl.BlockSpec((NC, _BR, 64), lambda i: (0, i, 0)),
            pl.BlockSpec((NC, _BR, L), lambda i: (0, i, 0)),
            _full((128, 64)),
            _full((1, 64)),
            _full((64, 1)),
            _full((1, 1)),
        ],
        out_specs=pl.BlockSpec((_BR, 1), lambda i: (i, 0)),
        out_shape=jax.ShapeDtypeStruct((N_NODES, 1), jnp.float32),
    )(h1, aggp, cntp, W2r, b2.reshape(1, 64), W3, b3.reshape(1, 1))


def kernel(x, edge_index, W1l, b1, W1r, W2l, b2, W2r, W3, b3):
    src = edge_index[0].astype(jnp.int32)
    dst = edge_index[1].astype(jnp.int32)

    agg1p, cntp = _segsum128c(x, src, dst)
    h1, p2 = _tc1(x, agg1p, cntp, W1l, b1, W1r, W2l)
    (agg2p,) = _segsum64(p2, src, dst)
    out = _tc2(h1, agg2p, cntp, W2r, b2, W3, b3)
    return out[:, 0]

# --- scband reference (transcript-rebuilt; emitter-appended) ---
"""Pipeline reference for scband-gnn-68530498175323 (READ-ONLY COPY).

The authoritative reference and input builder live on the scoring server;
editing this copy changes nothing except your own understanding.
"""

import jax, jax.numpy as jnp
import numpy as np

N_NODES = 10000
N_EDGES = 320000
D_IN = 128


def setup_inputs(seed: int = 0) -> dict:
    key = jax.random.key(seed)
    ks = jax.random.split(key, 12)
    x = jax.random.normal(ks[0], (N_NODES, D_IN), dtype=jnp.float32)
    edge_index = jax.random.randint(ks[1], (2, N_EDGES), 0, N_NODES, dtype=jnp.int64)
    s1 = 1.0 / np.sqrt(D_IN)
    s2 = 1.0 / np.sqrt(128)
    s3 = 1.0 / np.sqrt(64)
    # SAGEConv(128, 128): lin_l (aggregated neighbors, with bias), lin_r (root, no bias)
    W1l = jax.random.uniform(ks[2], (D_IN, 128), jnp.float32, -s1, s1)
    b1 = jax.random.uniform(ks[3], (128,), jnp.float32, -s1, s1)
    W1r = jax.random.uniform(ks[4], (D_IN, 128), jnp.float32, -s1, s1)
    # SAGEConv(128, 64)
    W2l = jax.random.uniform(ks[5], (128, 64), jnp.float32, -s2, s2)
    b2 = jax.random.uniform(ks[6], (64,), jnp.float32, -s2, s2)
    W2r = jax.random.uniform(ks[7], (128, 64), jnp.float32, -s2, s2)
    # Linear(64, 1)
    W3 = jax.random.uniform(ks[8], (64, 1), jnp.float32, -s3, s3)
    b3 = jax.random.uniform(ks[9], (1,), jnp.float32, -s3, s3)
    return {"x": x, "edge_index": edge_index, "W1l": W1l, "b1": b1, "W1r": W1r,
            "W2l": W2l, "b2": b2, "W2r": W2r, "W3": W3, "b3": b3}


def _sage_conv(x, src, dst, Wl, b, Wr, num_nodes):
    # message = x[src]; mean-aggregate at dst; out = lin_l(mean) + lin_r(x)
    msgs = jnp.take(x, src, axis=0)
    agg = jax.ops.segment_sum(msgs, dst, num_segments=num_nodes)
    cnt = jax.ops.segment_sum(jnp.ones((src.shape[0],), x.dtype), dst, num_segments=num_nodes)
    mean = agg / jnp.clip(cnt, 1.0, None)[:, None]
    return mean @ Wl + b + x @ Wr


def reference(x, edge_index, W1l, b1, W1r, W2l, b2, W2r, W3, b3):
    src = edge_index[0]
    dst = edge_index[1]
    n = x.shape[0]
    h = _sage_conv(x, src, dst, W1l, b1, W1r, n)
    h = jax.nn.relu(h)
    # dropout p=0.3 only active in training; reference runs in eval mode (identity)
    h = _sage_conv(h, src, dst, W2l, b2, W2r, n)
    h = jax.nn.relu(h)
    out = h @ W3 + b3
    return jnp.squeeze(out, axis=-1)

if __name__ == "__main__":
    import jax
    _d = setup_inputs()
    print(jax.jit(kernel)(*tuple(_d.values())))

</pallas_src>

<mosaic_0001>
#map = affine_map<(d0, d1) -> (0, 0)>
#map1 = affine_map<(d0, d1) -> (0)>
#map2 = affine_map<(d0, d1) -> (0, 0, 0)>
module attributes {stable_mosaic.version = 14 : i64} {
  func.func @sc_segsum_d128(%arg0: i32, %arg1: i32, %arg2: memref<10000x128xf32, #tpu.memory_space<hbm>>, %arg3: memref<320000xi32, #tpu.memory_space<hbm>>, %arg4: memref<320000xi32, #tpu.memory_space<hbm>>, %arg5: memref<2x10240x128xf32, #tpu.memory_space<hbm>>, %arg6: memref<2x10240x16xf32, #tpu.memory_space<hbm>>, %arg7: memref<10240x128xf32, #tpu.memory_space<vmem_shared>>, %arg8: memref<10240x16xf32, #tpu.memory_space<vmem_shared>>, %arg9: memref<128xi32, #tpu.memory_space<vmem>>, %arg10: memref<128xi32, #tpu.memory_space<vmem>>, %arg11: memref<128xi32, #tpu.memory_space<vmem>>, %arg12: memref<128xi32, #tpu.memory_space<vmem>>, %arg13: memref<128x128xf32, #tpu.memory_space<vmem>>, %arg14: memref<128x128xf32, #tpu.memory_space<vmem>>, %arg15: memref<128x16xf32, #tpu.memory_space<vmem>>, %arg16: memref<!tpu.dma_semaphore, #tpu.memory_space<semaphore_mem>>, %arg17: memref<!tpu.dma_semaphore, #tpu.memory_space<semaphore_mem>>, %arg18: memref<!tpu.dma_semaphore, #tpu.memory_space<semaphore_mem>>, %arg19: memref<!tpu.dma_semaphore, #tpu.memory_space<semaphore_mem>>) attributes {dimension_semantics = [#tpu.dimension_semantics<core_parallel>, #tpu.dimension_semantics<subcore_parallel>], iteration_bounds = array<i64: 2, 16>, scalar_prefetch = 0 : i64, scratch_operands = 13 : i64, tpu.core_type = #tpu.core_type<sc_vector_subcore>, window_params = [{transform_indices = #map}, {transform_indices = #map1}, {transform_indices = #map1}, {transform_indices = #map2}, {transform_indices = #map2}]} {
    %mul3A = arith.constant 2 : i32
    %mul3A_0 = arith.muli %arg1, %mul3A : i32
    %add3A = arith.addi %mul3A_0, %arg0 : i32
    %sub3A = arith.constant 2500 : i32
    %sub3A_1 = arith.subi %sub3A, %add3A : i32
    %add3A_2 = arith.constant 32 : i32
    %add3A_3 = arith.addi %sub3A_1, %add3A_2 : i32
    %sub3A_4 = arith.constant 1 : i32
    %sub3A_5 = arith.subi %add3A_3, %sub3A_4 : i32
    %jit3A = arith.constant 32 : i32
    %div3A = arith.divsi %sub3A_5, %jit3A : i32
    %sign3A = arith.constant 0 : i32
    %sign3A_6 = arith.cmpi sgt, %sub3A_5, %sign3A : i32
    %sign3A_7 = arith.extui %sign3A_6 : i1 to i32
    %sign3A_8 = arith.constant 0 : i32
    %sign3A_9 = arith.cmpi slt, %sub3A_5, %sign3A_8 : i32
    %sign3A_10 = arith.extui %sign3A_9 : i1 to i32
    %sign3A_11 = arith.subi %sign3A_7, %sign3A_10 : i32
    %sign3A_12 = arith.constant 0 : i32
    %sign3A_13 = arith.cmpi sgt, %jit3A, %sign3A_12 : i32
    %sign3A_14 = arith.extui %sign3A_13 : i1 to i32
    %sign3A_15 = arith.constant 0 : i32
    %sign3A_16 = arith.cmpi slt, %jit3A, %sign3A_15 : i32
    %sign3A_17 = arith.extui %sign3A_16 : i1 to i32
    %sign3A_18 = arith.subi %sign3A_14, %sign3A_17 : i32
    %ne3A = arith.cmpi ne, %sign3A_11, %sign3A_18 : i32
    %rem3A = arith.remsi %sub3A_5, %jit3A : i32
    %ne3A_19 = arith.constant 0 : i32
    %ne3A_20 = arith.cmpi ne, %rem3A, %ne3A_19 : i32
    %and3A = arith.andi %ne3A, %ne3A_20 : i1
    %sub3A_21 = arith.constant 1 : i32
    %sub3A_22 = arith.subi %div3A, %sub3A_21 : i32
    %select_n3A = arith.select %and3A, %sub3A_22, %div3A : i32
    %add3A_23 = arith.constant 0 : i32
    %add3A_24 = arith.addi %add3A, %add3A_23 : i32
    %mul3A_25 = arith.constant 128 : i32
    %mul3A_26 = arith.muli %add3A_24, %mul3A_25 : i32
    %multiple_of3A = tpu.assume_multiple %mul3A_26, 128 : i32
    %dma_start3A = tpu.memref_slice %arg3[%multiple_of3A] : memref<320000xi32, #tpu.memory_space<hbm>> -> memref<128xi32, #tpu.memory_space<hbm>>
    %dma_start3A_27 = tpu.memref_slice %arg3[%multiple_of3A] : memref<320000xi32, #tpu.memory_space<hbm>> -> memref<128xi32, #tpu.memory_space<hbm>>
    tpu.enqueue_dma source(%dma_start3A_27 : memref<128xi32, #tpu.memory_space<hbm>>) target(%arg9 : memref<128xi32, #tpu.memory_space<vmem>>) target_semaphore(%arg18 : memref<!tpu.dma_semaphore, #tpu.memory_space<semaphore_mem>>)
    %dma_start3A_28 = tpu.memref_slice %arg4[%multiple_of3A] : memref<320000xi32, #tpu.memory_space<hbm>> -> memref<128xi32, #tpu.memory_space<hbm>>
    %dma_start3A_29 = tpu.memref_slice %arg4[%multiple_of3A] : memref<320000xi32, #tpu.memory_space<hbm>> -> memref<128xi32, #tpu.memory_space<hbm>>
    tpu.enqueue_dma source(%dma_start3A_29 : memref<128xi32, #tpu.memory_space<hbm>>) target(%arg11 : memref<128xi32, #tpu.memory_space<vmem>>) target_semaphore(%arg18 : memref<!tpu.dma_semaphore, #tpu.memory_space<semaphore_mem>>)
    %add3A_30 = arith.constant 32 : i32
    %add3A_31 = arith.addi %add3A, %add3A_30 : i32
    %mul3A_32 = arith.constant 128 : i32
    %mul3A_33 = arith.muli %add3A_31, %mul3A_32 : i32
    %multiple_of3A_34 = tpu.assume_multiple %mul3A_33, 128 : i32
    %dma_start3A_35 = tpu.memref_slice %arg3[%multiple_of3A_34] : memref<320000xi32, #tpu.memory_space<hbm>> -> memref<128xi32, #tpu.memory_space<hbm>>
    %dma_start3A_36 = tpu.memref_slice %arg3[%multiple_of3A_34] : memref<320000xi32, #tpu.memory_space<hbm>> -> memref<128xi32, #tpu.memory_space<hbm>>
    tpu.enqueue_dma source(%dma_start3A_36 : memref<128xi32, #tpu.memory_space<hbm>>) target(%arg10 : memref<128xi32, #tpu.memory_space<vmem>>) target_semaphore(%arg19 : memref<!tpu.dma_semaphore, #tpu.memory_space<semaphore_mem>>)
    %dma_start3A_37 = tpu.memref_slice %arg4[%multiple_of3A_34] : memref<320000xi32, #tpu.memory_space<hbm>> -> memref<128xi32, #tpu.memory_space<hbm>>
    %dma_start3A_38 = tpu.memref_slice %arg4[%multiple_of3A_34] : memref<320000xi32, #tpu.memory_space<hbm>> -> memref<128xi32, #tpu.memory_space<hbm>>
    tpu.enqueue_dma source(%dma_start3A_38 : memref<128xi32, #tpu.memory_space<hbm>>) target(%arg12 : memref<128xi32, #tpu.memory_space<vmem>>) target_semaphore(%arg19 : memref<!tpu.dma_semaphore, #tpu.memory_space<semaphore_mem>>)
    %broadcast_in_dim3A = arith.constant 0.000000e+00 : f32
    %broadcast_in_dim3A_39 = vector.broadcast %broadcast_in_dim3A : f32 to vector<16xf32>
    %scan3A = arith.constant 0 : i32
    %scan3A_40 = arith.constant 0 : i32
    %scan3A_41 = arith.constant 128 : i32
    %scan3A_42 = arith.addi %scan3A_40, %scan3A_41 : i32
    %scan3A_43 = arith.constant 1 : i32
    %scan3A_44 = scf.for %scan3A_124 = %scan3A_40 to %scan3A_42 step %scan3A_43 iter_args(%scan3A_125 = %scan3A) -> (i32)  : i32 {
      %swap3A = arith.index_cast %scan3A_124 : i32 to index
      %swap3A_126 = arith.constant 0 : index
      %swap3A_127 = tpu.vector_load %arg13[%swap3A, %swap3A_126] {strides = array<i32>} : memref<128x128xf32, #tpu.memory_space<vmem>>, vector<1x16xf32>,
      %swap3A_128 = vector.shape_cast %swap3A_127 : vector<1x16xf32> to vector<16xf32>
      %swap3A_129 = vector.shape_cast %broadcast_in_dim3A_39 : vector<16xf32> to vector<1x16xf32>
      tpu.vector_store %arg13[%swap3A, %swap3A_126], %swap3A_129 {strides = array<i32>} : memref<128x128xf32, #tpu.memory_space<vmem>>, vector<1x16xf32>,
      %swap3A_130 = arith.index_cast %scan3A_124 : i32 to index
      %swap3A_131 = arith.constant 16 : index
      %swap3A_132 = tpu.vector_load %arg13[%swap3A_130, %swap3A_131] {strides = array<i32>} : memref<128x128xf32, #tpu.memory_space<vmem>>, vector<1x16xf32>,
      %swap3A_133 = vector.shape_cast %swap3A_132 : vector<1x16xf32> to vector<16xf32>
      %swap3A_134 = vector.shape_cast %broadcast_in_dim3A_39 : vector<16xf32> to vector<1x16xf32>
      tpu.vector_store %arg13[%swap3A_130, %swap3A_131], %swap3A_134 {strides = array<i32>} : memref<128x128xf32, #tpu.memory_space<vmem>>, vector<1x16xf32>,
      %swap3A_135 = arith.index_cast %scan3A_124 : i32 to index
      %swap3A_136 = arith.constant 32 : index
      %swap3A_137 = tpu.vector_load %arg13[%swap3A_135, %swap3A_136] {strides = array<i32>} : memref<128x128xf32, #tpu.memory_space<vmem>>, vector<1x16xf32>,
      %swap3A_138 = vector.shape_cast %swap3A_137 : vector<1x16xf32> to vector<16xf32>
      %swap3A_139 = vector.shape_cast %broadcast_in_dim3A_39 : vector<16xf32> to vector<1x16xf32>
      tpu.vector_store %arg13[%swap3A_135, %swap3A_136], %swap3A_139 {strides = array<i32>} : memref<128x128xf32, #tpu.memory_space<vmem>>, vector<1x16xf32>,
      %swap3A_140 = arith.index_cast %scan3A_124 : i32 to index
      %swap3A_141 = arith.constant 48 : index
      %swap3A_142 = tpu.vector_load %arg13[%swap3A_140, %swap3A_141] {strides = array<i32>} : memref<128x128xf32, #tpu.memory_space<vmem>>, vector<1x16xf32>,
      %swap3A_143 = vector.shape_cast %swap3A_142 : vector<1x16xf32> to vector<16xf32>
      %swap3A_144 = vector.shape_cast %broadcast_in_dim3A_39 : vector<16xf32> to vector<1x16xf32>
      tpu.vector_store %arg13[%swap3A_140, %swap3A_141], %swap3A_144 {strides = array<i32>} : memref<128x128xf32, #tpu.memory_space<vmem>>, vector<1x16xf32>,
      %swap3A_145 = arith.index_cast %scan3A_124 : i32 to index
      %swap3A_146 = arith.constant 64 : index
      %swap3A_147 = tpu.vector_load %arg13[%swap3A_145, %swap3A_146] {strides = array<i32>} : memref<128x128xf32, #tpu.memory_space<vmem>>, vector<1x16xf32>,
      %swap3A_148 = vector.shape_cast %swap3A_147 : vector<1x16xf32> to vector<16xf32>
      %swap3A_149 = vector.shape_cast %broadcast_in_dim3A_39 : vector<16xf32> to vector<1x16xf32>
      tpu.vector_store %arg13[%swap3A_145, %swap3A_146], %swap3A_149 {strides = array<i32>} : memref<128x128xf32, #tpu.memory_space<vmem>>, vector<1x16xf32>,
      %swap3A_150 = arith.index_cast %scan3A_124 : i32 to index
      %swap3A_151 = arith.constant 80 : index
      %swap3A_152 = tpu.vector_load %arg13[%swap3A_150, %swap3A_151] {strides = array<i32>} : memref<128x128xf32, #tpu.memory_space<vmem>>, vector<1x16xf32>,
      %swap3A_153 = vector.shape_cast %swap3A_152 : vector<1x16xf32> to vector<16xf32>
      %swap3A_154 = vector.shape_cast %broadcast_in_dim3A_39 : vector<16xf32> to vector<1x16xf32>
      tpu.vector_store %arg13[%swap3A_150, %swap3A_151], %swap3A_154 {strides = array<i32>} : memref<128x128xf32, #tpu.memory_space<vmem>>, vector<1x16xf32>,
      %swap3A_155 = arith.index_cast %scan3A_124 : i32 to index
      %swap3A_156 = arith.constant 96 : index
      %swap3A_157 = tpu.vector_load %arg13[%swap3A_155, %swap3A_156] {strides = array<i32>} : memref<128x128xf32, #tpu.memory_space<vmem>>, vector<1x16xf32>,
      %swap3A_158 = vector.shape_cast %swap3A_157 : vector<1x16xf32> to vector<16xf32>
      %swap3A_159 = vector.shape_cast %broadcast_in_dim3A_39 : vector<16xf32> to vector<1x16xf32>
      tpu.vector_store %arg13[%swap3A_155, %swap3A_156], %swap3A_159 {strides = array<i32>} : memref<128x128xf32, #tpu.memory_space<vmem>>, vector<1x16xf32>,
      %swap3A_160 = arith.index_cast %scan3A_124 : i32 to index
      %swap3A_161 = arith.constant 112 : index
      %swap3A_162 = tpu.vector_load %arg13[%swap3A_160, %swap3A_161] {strides = array<i32>} : memref<128x128xf32, #tpu.memory_space<vmem>>, vector<1x16xf32>,
      %swap3A_163 = vector.shape_cast %swap3A_162 : vector<1x16xf32> to vector<16xf32>
      %swap3A_164 = vector.shape_cast %broadcast_in_dim3A_39 : vector<16xf32> to vector<1x16xf32>
      tpu.vector_store %arg13[%swap3A_160, %swap3A_161], %swap3A_164 {strides = array<i32>} : memref<128x128xf32, #tpu.memory_space<vmem>>, vector<1x16xf32>,
      %swap3A_165 = arith.index_cast %scan3A_124 : i32 to index
      %swap3A_166 = arith.constant 0 : index
      %swap3A_167 = tpu.vector_load %arg15[%swap3A_165, %swap3A_166] {strides = array<i32>} : memref<128x16xf32, #tpu.memory_space<vmem>>, vector<1x16xf32>,
      %swap3A_168 = vector.shape_cast %swap3A_167 : vector<1x16xf32> to vector<16xf32>
      %swap3A_169 = vector.shape_cast %broadcast_in_dim3A_39 : vector<16xf32> to vector<1x16xf32>
      tpu.vector_store %arg15[%swap3A_165, %swap3A_166], %swap3A_169 {strides = array<i32>} : memref<128x16xf32, #tpu.memory_space<vmem>>, vector<1x16xf32>,
      %scan3A_170 = arith.constant 0 : i32
      scf.yield %scan3A_170 : i32
    }
    %scan3A_45 = arith.constant 128 : i32
    %mul3A_46 = arith.constant 640 : i32
    %mul3A_47 = arith.muli %arg1, %mul3A_46 : i32
    %add3A_48 = arith.constant 0 : i32
    %add3A_49 = arith.addi %mul3A_47, %add3A_48 : i32
    "tpu.region"() ({
      %run_scoped3A = tpu.sem_alloc : memref<!tpu.dma_semaphore, #tpu.memory_space<semaphore_mem>>
      %dma_start3A_124 = arith.constant 0 : i32
      %dma_start3A_125 = tpu.memref_slice %arg7[%add3A_49, %dma_start3A_124] : memref<10240x128xf32, #tpu.memory_space<vmem_shared>> -> memref<128x128xf32, #tpu.memory_space<vmem_shared>>
      %dma_start3A_126 = arith.constant 0 : i32
      %dma_start3A_127 = tpu.memref_slice %arg7[%add3A_49, %dma_start3A_126] : memref<10240x128xf32, #tpu.memory_space<vmem_shared>> -> memref<128x128xf32, #tpu.memory_space<vmem_shared>>
      tpu.enqueue_dma source(%arg13 : memref<128x128xf32, #tpu.memory_space<vmem>>) target(%dma_start3A_127 : memref<128x128xf32, #tpu.memory_space<vmem_shared>>) target_semaphore(%run_scoped3A : memref<!tpu.dma_semaphore, #tpu.memory_space<semaphore_mem>>)
      %dma_wait3A_128 = arith.constant 0 : i32
      %dma_wait3A_129 = tpu.memref_slice %arg7[%add3A_49, %dma_wait3A_128] : memref<10240x128xf32, #tpu.memory_space<vmem_shared>> -> memref<128x128xf32, #tpu.memory_space<vmem_shared>>
      %dma_wait3A_130 = arith.constant 0 : i32
      %dma_wait3A_131 = tpu.memref_slice %arg7[%add3A_49, %dma_wait3A_130] : memref<10240x128xf32, #tpu.memory_space<vmem_shared>> -> memref<128x128xf32, #tpu.memory_space<vmem_shared>>
      tpu.wait_dma2 semaphore(%run_scoped3A : memref<!tpu.dma_semaphore, #tpu.memory_space<semaphore_mem>>) src(%arg13 : memref<128x128xf32, #tpu.memory_space<vmem>>) dst(%dma_wait3A_131 : memref<128x128xf32, #tpu.memory_space<vmem_shared>>)
      tpu.yield
    }) : () -> ()
    %add3A_50 = arith.constant 0 : i32
    %add3A_51 = arith.addi %mul3A_47, %add3A_50 : i32
    "tpu.region"() ({
      %run_scoped3A = tpu.sem_alloc : memref<!tpu.dma_semaphore, #tpu.memory_space<semaphore_mem>>
      %dma_start3A_124 = arith.constant 0 : i32
      %dma_start3A_125 = tpu.memref_slice %arg8[%add3A_51, %dma_start3A_124] : memref<10240x16xf32, #tpu.memory_space<vmem_shared>> -> memref<128x16xf32, #tpu.memory_space<vmem_shared>>
      %dma_start3A_126 = arith.constant 0 : i32
      %dma_start3A_127 = tpu.memref_slice %arg8[%add3A_51, %dma_start3A_126] : memref<10240x16xf32, #tpu.memory_space<vmem_shared>> -> memref<128x16xf32, #tpu.memory_space<vmem_shared>>
      tpu.enqueue_dma source(%arg15 : memref<128x16xf32, #tpu.memory_space<vmem>>) target(%dma_start3A_127 : memref<128x16xf32, #tpu.memory_space<vmem_shared>>) target_semaphore(%run_scoped3A : memref<!tpu.dma_semaphore, #tpu.memory_space<semaphore_mem>>)
      %dma_wait3A_128 = arith.constant 0 : i32
      %dma_wait3A_129 = tpu.memref_slice %arg8[%add3A_51, %dma_wait3A_128] : memref<10240x16xf32, #tpu.memory_space<vmem_shared>> -> memref<128x16xf32, #tpu.memory_space<vmem_shared>>
      %dma_wait3A_130 = arith.constant 0 : i32
      %dma_wait3A_131 = tpu.memref_slice %arg8[%add3A_51, %dma_wait3A_130] : memref<10240x16xf32, #tpu.memory_space<vmem_shared>> -> memref<128x16xf32, #tpu.memory_space<vmem_shared>>
      tpu.wait_dma2 semaphore(%run_scoped3A : memref<!tpu.dma_semaphore, #tpu.memory_space<semaphore_mem>>) src(%arg15 : memref<128x16xf32, #tpu.memory_space<vmem>>) dst(%dma_wait3A_131 : memref<128x16xf32, #tpu.memory_space<vmem_shared>>)
      tpu.yield
    }) : () -> ()
    %add3A_52 = arith.constant 128 : i32
    %add3A_53 = arith.addi %mul3A_47, %add3A_52 : i32
    "tpu.region"() ({
      %run_scoped3A = tpu.sem_alloc : memref<!tpu.dma_semaphore, #tpu.memory_space<semaphore_mem>>
      %dma_start3A_124 = arith.constant 0 : i32
      %dma_start3A_125 = tpu.memref_slice %arg7[%add3A_53, %dma_start3A_124] : memref<10240x128xf32, #tpu.memory_space<vmem_shared>> -> memref<128x128xf32, #tpu.memory_space<vmem_shared>>
      %dma_start3A_126 = arith.constant 0 : i32
      %dma_start3A_127 = tpu.memref_slice %arg7[%add3A_53, %dma_start3A_126] : memref<10240x128xf32, #tpu.memory_space<vmem_shared>> -> memref<128x128xf32, #tpu.memory_space<vmem_shared>>
      tpu.enqueue_dma source(%arg13 : memref<128x128xf32, #tpu.memory_space<vmem>>) target(%dma_start3A_127 : memref<128x128xf32, #tpu.memory_space<vmem_shared>>) target_semaphore(%run_scoped3A : memref<!tpu.dma_semaphore, #tpu.memory_space<semaphore_mem>>)
      %dma_wait3A_128 = arith.constant 0 : i32
      %dma_wait3A_129 = tpu.memref_slice %arg7[%add3A_53, %dma_wait3A_128] : memref<10240x128xf32, #tpu.memory_space<vmem_shared>> -> memref<128x128xf32, #tpu.memory_space<vmem_shared>>
      %dma_wait3A_130 = arith.constant 0 : i32
      %dma_wait3A_131 = tpu.memref_slice %arg7[%add3A_53, %dma_wait3A_130] : memref<10240x128xf32, #tpu.memory_space<vmem_shared>> -> memref<128x128xf32, #tpu.memory_space<vmem_shared>>
      tpu.wait_dma2 semaphore(%run_scoped3A : memref<!tpu.dma_semaphore, #tpu.memory_space<semaphore_mem>>) src(%arg13 : memref<128x128xf32, #tpu.memory_space<vmem>>) dst(%dma_wait3A_131 : memref<128x128xf32, #tpu.memory_space<vmem_shared>>)
      tpu.yield
    }) : () -> ()
    %add3A_54 = arith.constant 128 : i32
    %add3A_55 = arith.addi %mul3A_47, %add3A_54 : i32
    "tpu.region"() ({
      %run_scoped3A = tpu.sem_alloc : memref<!tpu.dma_semaphore, #tpu.memory_space<semaphore_mem>>
      %dma_start3A_124 = arith.constant 0 : i32
      %dma_start3A_125 = tpu.memref_slice %arg8[%add3A_55, %dma_start3A_124] : memref<10240x16xf32, #tpu.memory_space<vmem_shared>> -> memref<128x16xf32, #tpu.memory_space<vmem_shared>>
      %dma_start3A_126 = arith.constant 0 : i32
      %dma_start3A_127 = tpu.memref_slice %arg8[%add3A_55, %dma_start3A_126] : memref<10240x16xf32, #tpu.memory_space<vmem_shared>> -> memref<128x16xf32, #tpu.memory_space<vmem_shared>>
      tpu.enqueue_dma source(%arg15 : memref<128x16xf32, #tpu.memory_space<vmem>>) target(%dma_start3A_127 : memref<128x16xf32, #tpu.memory_space<vmem_shared>>) target_semaphore(%run_scoped3A : memref<!tpu.dma_semaphore, #tpu.memory_space<semaphore_mem>>)
      %dma_wait3A_128 = arith.constant 0 : i32
      %dma_wait3A_129 = tpu.memref_slice %arg8[%add3A_55, %dma_wait3A_128] : memref<10240x16xf32, #tpu.memory_space<vmem_shared>> -> memref<128x16xf32, #tpu.memory_space<vmem_shared>>
      %dma_wait3A_130 = arith.constant 0 : i32
      %dma_wait3A_131 = tpu.memref_slice %arg8[%add3A_55, %dma_wait3A_130] : memref<10240x16xf32, #tpu.memory_space<vmem_shared>> -> memref<128x16xf32, #tpu.memory_space<vmem_shared>>
      tpu.wait_dma2 semaphore(%run_scoped3A : memref<!tpu.dma_semaphore, #tpu.memory_space<semaphore_mem>>) src(%arg15 : memref<128x16xf32, #tpu.memory_space<vmem>>) dst(%dma_wait3A_131 : memref<128x16xf32, #tpu.memory_space<vmem_shared>>)
      tpu.yield
    }) : () -> ()
    %add3A_56 = arith.constant 256 : i32
    %add3A_57 = arith.addi %mul3A_47, %add3A_56 : i32
    "tpu.region"() ({
      %run_scoped3A = tpu.sem_alloc : memref<!tpu.dma_semaphore, #tpu.memory_space<semaphore_mem>>
      %dma_start3A_124 = arith.constant 0 : i32
      %dma_start3A_125 = tpu.memref_slice %arg7[%add3A_57, %dma_start3A_124] : memref<10240x128xf32, #tpu.memory_space<vmem_shared>> -> memref<128x128xf32, #tpu.memory_space<vmem_shared>>
      %dma_start3A_126 = arith.constant 0 : i32
      %dma_start3A_127 = tpu.memref_slice %arg7[%add3A_57, %dma_start3A_126] : memref<10240x128xf32, #tpu.memory_space<vmem_shared>> -> memref<128x128xf32, #tpu.memory_space<vmem_shared>>
      tpu.enqueue_dma source(%arg13 : memref<128x128xf32, #tpu.memory_space<vmem>>) target(%dma_start3A_127 : memref<128x128xf32, #tpu.memory_space<vmem_shared>>) target_semaphore(%run_scoped3A : memref<!tpu.dma_semaphore, #tpu.memory_space<semaphore_mem>>)
      %dma_wait3A_128 = arith.constant 0 : i32
      %dma_wait3A_129 = tpu.memref_slice %arg7[%add3A_57, %dma_wait3A_128] : memref<10240x128xf32, #tpu.memory_space<vmem_shared>> -> memref<128x128xf32, #tpu.memory_space<vmem_shared>>
      %dma_wait3A_130 = arith.constant 0 : i32
      %dma_wait3A_131 = tpu.memref_slice %arg7[%add3A_57, %dma_wait3A_130] : memref<10240x128xf32, #tpu.memory_space<vmem_shared>> -> memref<128x128xf32, #tpu.memory_space<vmem_shared>>
      tpu.wait_dma2 semaphore(%run_scoped3A : memref<!tpu.dma_semaphore, #tpu.memory_space<semaphore_mem>>) src(%arg13 : memref<128x128xf32, #tpu.memory_space<vmem>>) dst(%dma_wait3A_131 : memref<128x128xf32, #tpu.memory_space<vmem_shared>>)
      tpu.yield
    }) : () -> ()
    %add3A_58 = arith.constant 256 : i32
    %add3A_59 = arith.addi %mul3A_47, %add3A_58 : i32
    "tpu.region"() ({
      %run_scoped3A = tpu.sem_alloc : memref<!tpu.dma_semaphore, #tpu.memory_space<semaphore_mem>>
      %dma_start3A_124 = arith.constant 0 : i32
      %dma_start3A_125 = tpu.memref_slice %arg8[%add3A_59, %dma_start3A_124] : memref<10240x16xf32, #tpu.memory_space<vmem_shared>> -> memref<128x16xf32, #tpu.memory_space<vmem_shared>>
      %dma_start3A_126 = arith.constant 0 : i32
      %dma_start3A_127 = tpu.memref_slice %arg8[%add3A_59, %dma_start3A_126] : memref<10240x16xf32, #tpu.memory_space<vmem_shared>> -> memref<128x16xf32, #tpu.memory_space<vmem_shared>>
      tpu.enqueue_dma source(%arg15 : memref<128x16xf32, #tpu.memory_space<vmem>>) target(%dma_start3A_127 : memref<128x16xf32, #tpu.memory_space<vmem_shared>>) target_semaphore(%run_scoped3A : memref<!tpu.dma_semaphore, #tpu.memory_space<semaphore_mem>>)
      %dma_wait3A_128 = arith.constant 0 : i32
      %dma_wait3A_129 = tpu.memref_slice %arg8[%add3A_59, %dma_wait3A_128] : memref<10240x16xf32, #tpu.memory_space<vmem_shared>> -> memref<128x16xf32, #tpu.memory_space<vmem_shared>>
      %dma_wait3A_130 = arith.constant 0 : i32
      %dma_wait3A_131 = tpu.memref_slice %arg8[%add3A_59, %dma_wait3A_130] : memref<10240x16xf32, #tpu.memory_space<vmem_shared>> -> memref<128x16xf32, #tpu.memory_space<vmem_shared>>
      tpu.wait_dma2 semaphore(%run_scoped3A : memref<!tpu.dma_semaphore, #tpu.memory_space<semaphore_mem>>) src(%arg15 : memref<128x16xf32, #tpu.memory_space<vmem>>) dst(%dma_wait3A_131 : memref<128x16xf32, #tpu.memory_space<vmem_shared>>)
      tpu.yield
    }) : () -> ()
    %add3A_60 = arith.constant 384 : i32
    %add3A_61 = arith.addi %mul3A_47, %add3A_60 : i32
    "tpu.region"() ({
      %run_scoped3A = tpu.sem_alloc : memref<!tpu.dma_semaphore, #tpu.memory_space<semaphore_mem>>
      %dma_start3A_124 = arith.constant 0 : i32
      %dma_start3A_125 = tpu.memref_slice %arg7[%add3A_61, %dma_start3A_124] : memref<10240x128xf32, #tpu.memory_space<vmem_shared>> -> memref<128x128xf32, #tpu.memory_space<vmem_shared>>
      %dma_start3A_126 = arith.constant 0 : i32
      %dma_start3A_127 = tpu.memref_slice %arg7[%add3A_61, %dma_start3A_126] : memref<10240x128xf32, #tpu.memory_space<vmem_shared>> -> memref<128x128xf32, #tpu.memory_space<vmem_shared>>
      tpu.enqueue_dma source(%arg13 : memref<128x128xf32, #tpu.memory_space<vmem>>) target(%dma_start3A_127 : memref<128x128xf32, #tpu.memory_space<vmem_shared>>) target_semaphore(%run_scoped3A : memref<!tpu.dma_semaphore, #tpu.memory_space<semaphore_mem>>)
      %dma_wait3A_128 = arith.constant 0 : i32
      %dma_wait3A_129 = tpu.memref_slice %arg7[%add3A_61, %dma_wait3A_128] : memref<10240x128xf32, #tpu.memory_space<vmem_shared>> -> memref<128x128xf32, #tpu.memory_space<vmem_shared>>
      %dma_wait3A_130 = arith.constant 0 : i32
      %dma_wait3A_131 = tpu.memref_slice %arg7[%add3A_61, %dma_wait3A_130] : memref<10240x128xf32, #tpu.memory_space<vmem_shared>> -> memref<128x128xf32, #tpu.memory_space<vmem_shared>>
      tpu.wait_dma2 semaphore(%run_scoped3A : memref<!tpu.dma_semaphore, #tpu.memory_space<semaphore_mem>>) src(%arg13 : memref<128x128xf32, #tpu.memory_space<vmem>>) dst(%dma_wait3A_131 : memref<128x128xf32, #tpu.memory_space<vmem_shared>>)
      tpu.yield
    }) : () -> ()
    %add3A_62 = arith.constant 384 : i32
    %add3A_63 = arith.addi %mul3A_47, %add3A_62 : i32
    "tpu.region"() ({
      %run_scoped3A = tpu.sem_alloc : memref<!tpu.dma_semaphore, #tpu.memory_space<semaphore_mem>>
      %dma_start3A_124 = arith.constant 0 : i32
      %dma_start3A_125 = tpu.memref_slice %arg8[%add3A_63, %dma_start3A_124] : memref<10240x16xf32, #tpu.memory_space<vmem_shared>> -> memref<128x16xf32, #tpu.memory_space<vmem_shared>>
      %dma_start3A_126 = arith.constant 0 : i32
      %dma_start3A_127 = tpu.memref_slice %arg8[%add3A_63, %dma_start3A_126] : memref<10240x16xf32, #tpu.memory_space<vmem_shared>> -> memref<128x16xf32, #tpu.memory_space<vmem_shared>>
      tpu.enqueue_dma source(%arg15 : memref<128x16xf32, #tpu.memory_space<vmem>>) target(%dma_start3A_127 : memref<128x16xf32, #tpu.memory_space<vmem_shared>>) target_semaphore(%run_scoped3A : memref<!tpu.dma_semaphore, #tpu.memory_space<semaphore_mem>>)
      %dma_wait3A_128 = arith.constant 0 : i32
      %dma_wait3A_129 = tpu.memref_slice %arg8[%add3A_63, %dma_wait3A_128] : memref<10240x16xf32, #tpu.memory_space<vmem_shared>> -> memref<128x16xf32, #tpu.memory_space<vmem_shared>>
      %dma_wait3A_130 = arith.constant 0 : i32
      %dma_wait3A_131 = tpu.memref_slice %arg8[%add3A_63, %dma_wait3A_130] : memref<10240x16xf32, #tpu.memory_space<vmem_shared>> -> memref<128x16xf32, #tpu.memory_space<vmem_shared>>
      tpu.wait_dma2 semaphore(%run_scoped3A : memref<!tpu.dma_semaphore, #tpu.memory_space<semaphore_mem>>) src(%arg15 : memref<128x16xf32, #tpu.memory_space<vmem>>) dst(%dma_wait3A_131 : memref<128x16xf32, #tpu.memory_space<vmem_shared>>)
      tpu.yield
    }) : () -> ()
    %add3A_64 = arith.constant 512 : i32
    %add3A_65 = arith.addi %mul3A_47, %add3A_64 : i32
    "tpu.region"() ({
      %run_scoped3A = tpu.sem_alloc : memref<!tpu.dma_semaphore, #tpu.memory_space<semaphore_mem>>
      %dma_start3A_124 = arith.constant 0 : i32
      %dma_start3A_125 = tpu.memref_slice %arg7[%add3A_65, %dma_start3A_124] : memref<10240x128xf32, #tpu.memory_space<vmem_shared>> -> memref<128x128xf32, #tpu.memory_space<vmem_shared>>
      %dma_start3A_126 = arith.constant 0 : i32
      %dma_start3A_127 = tpu.memref_slice %arg7[%add3A_65, %dma_start3A_126] : memref<10240x128xf32, #tpu.memory_space<vmem_shared>> -> memref<128x128xf32, #tpu.memory_space<vmem_shared>>
      tpu.enqueue_dma source(%arg13 : memref<128x128xf32, #tpu.memory_space<vmem>>) target(%dma_start3A_127 : memref<128x128xf32, #tpu.memory_space<vmem_shared>>) target_semaphore(%run_scoped3A : memref<!tpu.dma_semaphore, #tpu.memory_space<semaphore_mem>>)
      %dma_wait3A_128 = arith.constant 0 : i32
      %dma_wait3A_129 = tpu.memref_slice %arg7[%add3A_65, %dma_wait3A_128] : memref<10240x128xf32, #tpu.memory_space<vmem_shared>> -> memref<128x128xf32, #tpu.memory_space<vmem_shared>>
      %dma_wait3A_130 = arith.constant 0 : i32
      %dma_wait3A_131 = tpu.memref_slice %arg7[%add3A_65, %dma_wait3A_130] : memref<10240x128xf32, #tpu.memory_space<vmem_shared>> -> memref<128x128xf32, #tpu.memory_space<vmem_shared>>
      tpu.wait_dma2 semaphore(%run_scoped3A : memref<!tpu.dma_semaphore, #tpu.memory_space<semaphore_mem>>) src(%arg13 : memref<128x128xf32, #tpu.memory_space<vmem>>) dst(%dma_wait3A_131 : memref<128x128xf32, #tpu.memory_space<vmem_shared>>)
      tpu.yield
    }) : () -> ()
    %add3A_66 = arith.constant 512 : i32
    %add3A_67 = arith.addi %mul3A_47, %add3A_66 : i32
    "tpu.region"() ({
      %run_scoped3A = tpu.sem_alloc : memref<!tpu.dma_semaphore, #tpu.memory_space<semaphore_mem>>
      %dma_start3A_124 = arith.constant 0 : i32
      %dma_start3A_125 = tpu.memref_slice %arg8[%add3A_67, %dma_start3A_124] : memref<10240x16xf32, #tpu.memory_space<vmem_shared>> -> memref<128x16xf32, #tpu.memory_space<vmem_shared>>
      %dma_start3A_126 = arith.constant 0 : i32
      %dma_start3A_127 = tpu.memref_slice %arg8[%add3A_67, %dma_start3A_126] : memref<10240x16xf32, #tpu.memory_space<vmem_shared>> -> memref<128x16xf32, #tpu.memory_space<vmem_shared>>
      tpu.enqueue_dma source(%arg15 : memref<128x16xf32, #tpu.memory_space<vmem>>) target(%dma_start3A_127 : memref<128x16xf32, #tpu.memory_space<vmem_shared>>) target_semaphore(%run_scoped3A : memref<!tpu.dma_semaphore, #tpu.memory_space<semaphore_mem>>)
      %dma_wait3A_128 = arith.constant 0 : i32
      %dma_wait3A_129 = tpu.memref_slice %arg8[%add3A_67, %dma_wait3A_128] : memref<10240x16xf32, #tpu.memory_space<vmem_shared>> -> memref<128x16xf32, #tpu.memory_space<vmem_shared>>
      %dma_wait3A_130 = arith.constant 0 : i32
      %dma_wait3A_131 = tpu.memref_slice %arg8[%add3A_67, %dma_wait3A_130] : memref<10240x16xf32, #tpu.memory_space<vmem_shared>> -> memref<128x16xf32, #tpu.memory_space<vmem_shared>>
      tpu.wait_dma2 semaphore(%run_scoped3A : memref<!tpu.dma_semaphore, #tpu.memory_space<semaphore_mem>>) src(%arg15 : memref<128x16xf32, #tpu.memory_space<vmem>>) dst(%dma_wait3A_131 : memref<128x16xf32, #tpu.memory_space<vmem_shared>>)
      tpu.yield
    }) : () -> ()
    %scan3A_68 = arith.constant 0 : i32
    %scan3A_69 = arith.constant 0 : i32
    %scan3A_70 = arith.constant 128 : i32
    %scan3A_71 = arith.addi %scan3A_69, %scan3A_70 : i32
    %scan3A_72 = arith.constant 1 : i32
    %scan3A_73 = scf.for %scan3A_124 = %scan3A_69 to %scan3A_71 step %scan3A_72 iter_args(%scan3A_125 = %scan3A_68) -> (i32)  : i32 {
      %broadcast_in_dim3A_126 = arith.constant 1.000000e+00 : f32
      %broadcast_in_dim3A_127 = vector.broadcast %broadcast_in_dim3A_126 : f32 to vector<16xf32>
      %swap3A = arith.index_cast %scan3A_124 : i32 to index
      %swap3A_128 = arith.constant 0 : index
      %swap3A_129 = tpu.vector_load %arg15[%swap3A, %swap3A_128] {strides = array<i32>} : memref<128x16xf32, #tpu.memory_space<vmem>>, vector<1x16xf32>,
      %swap3A_130 = vector.shape_cast %swap3A_129 : vector<1x16xf32> to vector<16xf32>
      %swap3A_131 = vector.shape_cast %broadcast_in_dim3A_127 : vector<16xf32> to vector<1x16xf32>
      tpu.vector_store %arg15[%swap3A, %swap3A_128], %swap3A_131 {strides = array<i32>} : memref<128x16xf32, #tpu.memory_space<vmem>>, vector<1x16xf32>,
      %scan3A_132 = arith.constant 0 : i32
      scf.yield %scan3A_132 : i32
    }
    %scan3A_74 = arith.constant 128 : i32
    %add3A_75 = arith.constant 0 : i32
    %add3A_76 = arith.addi %add3A, %add3A_75 : i32
    %mul3A_77 = arith.constant 128 : i32
    %mul3A_78 = arith.muli %add3A_76, %mul3A_77 : i32
    %multiple_of3A_79 = tpu.assume_multiple %mul3A_78, 128 : i32
    %dma_wait3A = tpu.memref_slice %arg3[%multiple_of3A_79] : memref<320000xi32, #tpu.memory_space<hbm>> -> memref<128xi32, #tpu.memory_space<hbm>>
    %dma_wait3A_80 = tpu.memref_slice %arg3[%multiple_of3A_79] : memref<320000xi32, #tpu.memory_space<hbm>> -> memref<128xi32, #tpu.memory_space<hbm>>
    tpu.wait_dma2 semaphore(%arg18 : memref<!tpu.dma_semaphore, #tpu.memory_space<semaphore_mem>>) src(%dma_wait3A_80 : memref<128xi32, #tpu.memory_space<hbm>>) dst(%arg9 : memref<128xi32, #tpu.memory_space<vmem>>)
    %dma_wait3A_81 = tpu.memref_slice %arg4[%multiple_of3A_79] : memref<320000xi32, #tpu.memory_space<hbm>> -> memref<128xi32, #tpu.memory_space<hbm>>
    %dma_wait3A_82 = tpu.memref_slice %arg4[%multiple_of3A_79] : memref<320000xi32, #tpu.memory_space<hbm>> -> memref<128xi32, #tpu.memory_space<hbm>>
    tpu.wait_dma2 semaphore(%arg18 : memref<!tpu.dma_semaphore, #tpu.memory_space<semaphore_mem>>) src(%dma_wait3A_82 : memref<128xi32, #tpu.memory_space<hbm>>) dst(%arg11 : memref<128xi32, #tpu.memory_space<vmem>>)
    %dma_start3A_83 = arith.constant 0 : i32
    %dma_start3A_84 = arith.constant 0 : i32
    %dma_start3A_85 = tpu.memref_slice %arg2[%dma_start3A_83, %dma_start3A_84] : memref<10000x128xf32, #tpu.memory_space<hbm>> -> memref<10000x128xf32, #tpu.memory_space<hbm>>
    tpu.enqueue_indirect_dma source(%dma_start3A_85 : memref<10000x128xf32, #tpu.memory_space<hbm>>) target(%arg13 : memref<128x128xf32, #tpu.memory_space<vmem>>) offsets(%arg9 : memref<128xi32, #tpu.memory_space<vmem>>) semaphore(%arg16 : memref<!tpu.dma_semaphore, #tpu.memory_space<semaphore_mem>>)
    %barrier3A = arith.constant 0 : index
    tpu.barrier barrier_id(%barrier3A)
    %add3A_86 = arith.constant 1 : i32
    %add3A_87 = arith.addi %select_n3A, %add3A_86 : i32
    %jit3A_88 = arith.constant 2 : i32
    %div3A_89 = arith.divsi %add3A_87, %jit3A_88 : i32
    %sign3A_90 = arith.constant 0 : i32
    %sign3A_91 = arith.cmpi sgt, %add3A_87, %sign3A_90 : i32
    %sign3A_92 = arith.extui %sign3A_91 : i1 to i32
    %sign3A_93 = arith.constant 0 : i32
    %sign3A_94 = arith.cmpi slt, %add3A_87, %sign3A_93 : i32
    %sign3A_95 = arith.extui %sign3A_94 : i1 to i32
    %sign3A_96 = arith.subi %sign3A_92, %sign3A_95 : i32
    %sign3A_97 = arith.constant 0 : i32
    %sign3A_98 = arith.cmpi sgt, %jit3A_88, %sign3A_97 : i32
    %sign3A_99 = arith.extui %sign3A_98 : i1 to i32
    %sign3A_100 = arith.constant 0 : i32
    %sign3A_101 = arith.cmpi slt, %jit3A_88, %sign3A_100 : i32
    %sign3A_102 = arith.extui %sign3A_101 : i1 to i32
    %sign3A_103 = arith.subi %sign3A_99, %sign3A_102 : i32
    %ne3A_104 = arith.cmpi ne, %sign3A_96, %sign3A_103 : i32
    %rem3A_105 = arith.remsi %add3A_87, %jit3A_88 : i32
    %ne3A_106 = arith.constant 0 : i32
    %ne3A_107 = arith.cmpi ne, %rem3A_105, %ne3A_106 : i32
    %and3A_108 = arith.andi %ne3A_104, %ne3A_107 : i1
    %sub3A_109 = arith.constant 1 : i32
    %sub3A_110 = arith.subi %div3A_89, %sub3A_109 : i32
    %select_n3A_111 = arith.select %and3A_108, %sub3A_110, %div3A_89 : i32
    %while3A = arith.constant 0 : i32
    %while3A_112 = arith.constant 0 : i32
    %while3A_113 = arith.subi %select_n3A_111, %while3A : i32
    %while3A_114 = arith.addi %while3A, %while3A_113 : i32
    %while3A_115 = arith.constant 1 : i32
    %while3A_116 = arith.divsi %while3A_113, %while3A_115 : i32
    %while3A_117 = arith.muli %while3A_116, %while3A_115 : i32
    %while3A_118 = arith.addi %while3A, %while3A_117 : i32
    %while3A_119 = arith.constant 1 : i32
    %while3A_120 = scf.for %while3A_124 = %while3A to %while3A_118 step %while3A_119 iter_args(%while3A_125 = %while3A_112) -> (i32)  : i32 {
      %mul3A_126 = arith.constant 2 : i32
      %mul3A_127 = arith.muli %mul3A_126, %while3A_124 : i32
      %add3A_128 = arith.constant 1 : i32
      %add3A_129 = arith.addi %mul3A_127, %add3A_128 : i32
      %add3A_130 = arith.constant 2 : i32
      %add3A_131 = arith.addi %mul3A_127, %add3A_130 : i32
      %add3A_132 = arith.constant 3 : i32
      %add3A_133 = arith.addi %mul3A_127, %add3A_132 : i32
      %lt3A = arith.cmpi slt, %add3A_129, %select_n3A : i32
      %convert_element_type3A = arith.extui %lt3A : i1 to i32
      %cond3A = arith.constant 0 : i32
      %cond3A_134 = arith.cmpi ne, %convert_element_type3A, %cond3A : i32
      scf.if %cond3A_134 {
        %mul3A_147 = arith.constant 32 : i32
        %mul3A_148 = arith.muli %add3A_129, %mul3A_147 : i32
        %add3A_149 = arith.addi %add3A, %mul3A_148 : i32
        %mul3A_150 = arith.constant 128 : i32
        %mul3A_151 = arith.muli %add3A_149, %mul3A_150 : i32
        %multiple_of3A_152 = tpu.assume_multiple %mul3A_151, 128 : i32
        %dma_wait3A_153 = tpu.memref_slice %arg3[%multiple_of3A_152] : memref<320000xi32, #tpu.memory_space<hbm>> -> memref<128xi32, #tpu.memory_space<hbm>>
        %dma_wait3A_154 = tpu.memref_slice %arg3[%multiple_of3A_152] : memref<320000xi32, #tpu.memory_space<hbm>> -> memref<128xi32, #tpu.memory_space<hbm>>
        tpu.wait_dma2 semaphore(%arg19 : memref<!tpu.dma_semaphore, #tpu.memory_space<semaphore_mem>>) src(%dma_wait3A_154 : memref<128xi32, #tpu.memory_space<hbm>>) dst(%arg10 : memref<128xi32, #tpu.memory_space<vmem>>)
        %dma_wait3A_155 = tpu.memref_slice %arg4[%multiple_of3A_152] : memref<320000xi32, #tpu.memory_space<hbm>> -> memref<128xi32, #tpu.memory_space<hbm>>
        %dma_wait3A_156 = tpu.memref_slice %arg4[%multiple_of3A_152] : memref<320000xi32, #tpu.memory_space<hbm>> -> memref<128xi32, #tpu.memory_space<hbm>>
        tpu.wait_dma2 semaphore(%arg19 : memref<!tpu.dma_semaphore, #tpu.memory_space<semaphore_mem>>) src(%dma_wait3A_156 : memref<128xi32, #tpu.memory_space<hbm>>) dst(%arg12 : memref<128xi32, #tpu.memory_space<vmem>>)
        %dma_start3A_157 = arith.constant 0 : i32
        %dma_start3A_158 = arith.constant 0 : i32
        %dma_start3A_159 = tpu.memref_slice %arg2[%dma_start3A_157, %dma_start3A_158] : memref<10000x128xf32, #tpu.memory_space<hbm>> -> memref<10000x128xf32, #tpu.memory_space<hbm>>
        tpu.enqueue_indirect_dma source(%dma_start3A_159 : memref<10000x128xf32, #tpu.memory_space<hbm>>) target(%arg14 : memref<128x128xf32, #tpu.memory_space<vmem>>) offsets(%arg10 : memref<128xi32, #tpu.memory_space<vmem>>) semaphore(%arg17 : memref<!tpu.dma_semaphore, #tpu.memory_space<semaphore_mem>>)
      } else {
      }
      %dma_wait3A_135 = arith.constant 0 : i32
      %dma_wait3A_136 = arith.constant 0 : i32
      %dma_wait3A_137 = tpu.memref_slice %arg2[%dma_wait3A_135, %dma_wait3A_136] : memref<10000x128xf32, #tpu.memory_space<hbm>> -> memref<10000x128xf32, #tpu.memory_space<hbm>>
      tpu.wait_indirect_dma semaphore(%arg16 : memref<!tpu.dma_semaphore, #tpu.memory_space<semaphore_mem>>) src(%dma_wait3A_137 : memref<10000x128xf32, #tpu.memory_space<hbm>>) dst(%arg13 : memref<128x128xf32, #tpu.memory_space<vmem>>)
      "tpu.region"() ({
        %run_scoped3A = tpu.sem_alloc : memref<!tpu.dma_semaphore, #tpu.memory_space<semaphore_mem>>
        %dma_start3A_147 = arith.constant 0 : i32
        %dma_start3A_148 = arith.constant 0 : i32
        %dma_start3A_149 = tpu.memref_slice %arg7[%dma_start3A_147, %dma_start3A_148] : memref<10240x128xf32, #tpu.memory_space<vmem_shared>> -> memref<10240x128xf32, #tpu.memory_space<vmem_shared>>
        tpu.enqueue_indirect_dma source(%arg13 : memref<128x128xf32, #tpu.memory_space<vmem>>) target(%dma_start3A_149 : memref<10240x128xf32, #tpu.memory_space<vmem_shared>>) offsets(%arg11 : memref<128xi32, #tpu.memory_space<vmem>>) semaphore(%run_scoped3A : memref<!tpu.dma_semaphore, #tpu.memory_space<semaphore_mem>>) {add = true}
        %dma_wait3A_150 = arith.constant 0 : i32
        %dma_wait3A_151 = arith.constant 0 : i32
        %dma_wait3A_152 = tpu.memref_slice %arg7[%dma_wait3A_150, %dma_wait3A_151] : memref<10240x128xf32, #tpu.memory_space<vmem_shared>> -> memref<10240x128xf32, #tpu.memory_space<vmem_shared>>
        tpu.wait_indirect_dma semaphore(%run_scoped3A : memref<!tpu.dma_semaphore, #tpu.memory_space<semaphore_mem>>) src(%arg13 : memref<128x128xf32, #tpu.memory_space<vmem>>) dst(%dma_wait3A_152 : memref<10240x128xf32, #tpu.memory_space<vmem_shared>>)
        tpu.yield
      }) : () -> ()
      "tpu.region"() ({
        %run_scoped3A = tpu.sem_alloc : memref<!tpu.dma_semaphore, #tpu.memory_space<semaphore_mem>>
        %dma_start3A_147 = arith.constant 0 : i32
        %dma_start3A_148 = arith.constant 0 : i32
        %dma_start3A_149 = tpu.memref_slice %arg8[%dma_start3A_147, %dma_start3A_148] : memref<10240x16xf32, #tpu.memory_space<vmem_shared>> -> memref<10240x16xf32, #tpu.memory_space<vmem_shared>>
        tpu.enqueue_indirect_dma source(%arg15 : memref<128x16xf32, #tpu.memory_space<vmem>>) target(%dma_start3A_149 : memref<10240x16xf32, #tpu.memory_space<vmem_shared>>) offsets(%arg11 : memref<128xi32, #tpu.memory_space<vmem>>) semaphore(%run_scoped3A : memref<!tpu.dma_semaphore, #tpu.memory_space<semaphore_mem>>) {add = true}
        %dma_wait3A_150 = arith.constant 0 : i32
        %dma_wait3A_151 = arith.constant 0 : i32
        %dma_wait3A_152 = tpu.memref_slice %arg8[%dma_wait3A_150, %dma_wait3A_151] : memref<10240x16xf32, #tpu.memory_space<vmem_shared>> -> memref<10240x16xf32, #tpu.memory_space<vmem_shared>>
        tpu.wait_indirect_dma semaphore(%run_scoped3A : memref<!tpu.dma_semaphore, #tpu.memory_space<semaphore_mem>>) src(%arg15 : memref<128x16xf32, #tpu.memory_space<vmem>>) dst(%dma_wait3A_152 : memref<10240x16xf32, #tpu.memory_space<vmem_shared>>)
        tpu.yield
      }) : () -> ()
      %lt3A_138 = arith.cmpi slt, %add3A_131, %select_n3A : i32
      %convert_element_type3A_139 = arith.extui %lt3A_138 : i1 to i32
      %cond3A_140 = arith.constant 0 : i32
      %cond3A_141 = arith.cmpi ne, %convert_element_type3A_139, %cond3A_140 : i32
      scf.if %cond3A_141 {
        %mul3A_147 = arith.constant 32 : i32
        %mul3A_148 = arith.muli %add3A_131, %mul3A_147 : i32
        %add3A_149 = arith.addi %add3A, %mul3A_148 : i32
        %mul3A_150 = arith.constant 128 : i32
        %mul3A_151 = arith.muli %add3A_149, %mul3A_150 : i32
        %multiple_of3A_152 = tpu.assume_multiple %mul3A_151, 128 : i32
        %dma_start3A_153 = tpu.memref_slice %arg3[%multiple_of3A_152] : memref<320000xi32, #tpu.memory_space<hbm>> -> memref<128xi32, #tpu.memory_space<hbm>>
        %dma_start3A_154 = tpu.memref_slice %arg3[%multiple_of3A_152] : memref<320000xi32, #tpu.memory_space<hbm>> -> memref<128xi32, #tpu.memory_space<hbm>>
        tpu.enqueue_dma source(%dma_start3A_154 : memref<128xi32, #tpu.memory_space<hbm>>) target(%arg9 : memref<128xi32, #tpu.memory_space<vmem>>) target_semaphore(%arg18 : memref<!tpu.dma_semaphore, #tpu.memory_space<semaphore_mem>>)
        %dma_start3A_155 = tpu.memref_slice %arg4[%multiple_of3A_152] : memref<320000xi32, #tpu.memory_space<hbm>> -> memref<128xi32, #tpu.memory_space<hbm>>
        %dma_start3A_156 = tpu.memref_slice %arg4[%multiple_of3A_152] : memref<320000xi32, #tpu.memory_space<hbm>> -> memref<128xi32, #tpu.memory_space<hbm>>
        tpu.enqueue_dma source(%dma_start3A_156 : memref<128xi32, #tpu.memory_space<hbm>>) target(%arg11 : memref<128xi32, #tpu.memory_space<vmem>>) target_semaphore(%arg18 : memref<!tpu.dma_semaphore, #tpu.memory_space<semaphore_mem>>)
      } else {
      }
      %lt3A_142 = arith.cmpi slt, %add3A_129, %select_n3A : i32
      %convert_element_type3A_143 = arith.extui %lt3A_142 : i1 to i32
      %cond3A_144 = arith.constant 0 : i32
      %cond3A_145 = arith.cmpi ne, %convert_element_type3A_143, %cond3A_144 : i32
      scf.if %cond3A_145 {
        %lt3A_147 = arith.cmpi slt, %add3A_131, %select_n3A : i32
        %convert_element_type3A_148 = arith.extui %lt3A_147 : i1 to i32
        %cond3A_149 = arith.constant 0 : i32
        %cond3A_150 = arith.cmpi ne, %convert_element_type3A_148, %cond3A_149 : i32
        scf.if %cond3A_150 {
          %mul3A_158 = arith.constant 32 : i32
          %mul3A_159 = arith.muli %add3A_131, %mul3A_158 : i32
          %add3A_160 = arith.addi %add3A, %mul3A_159 : i32
          %mul3A_161 = arith.constant 128 : i32
          %mul3A_162 = arith.muli %add3A_160, %mul3A_161 : i32
          %multiple_of3A_163 = tpu.assume_multiple %mul3A_162, 128 : i32
          %dma_wait3A_164 = tpu.memref_slice %arg3[%multiple_of3A_163] : memref<320000xi32, #tpu.memory_space<hbm>> -> memref<128xi32, #tpu.memory_space<hbm>>
          %dma_wait3A_165 = tpu.memref_slice %arg3[%multiple_of3A_163] : memref<320000xi32, #tpu.memory_space<hbm>> -> memref<128xi32, #tpu.memory_space<hbm>>
          tpu.wait_dma2 semaphore(%arg18 : memref<!tpu.dma_semaphore, #tpu.memory_space<semaphore_mem>>) src(%dma_wait3A_165 : memref<128xi32, #tpu.memory_space<hbm>>) dst(%arg9 : memref<128xi32, #tpu.memory_space<vmem>>)
          %dma_wait3A_166 = tpu.memref_slice %arg4[%multiple_of3A_163] : memref<320000xi32, #tpu.memory_space<hbm>> -> memref<128xi32, #tpu.memory_space<hbm>>
          %dma_wait3A_167 = tpu.memref_slice %arg4[%multiple_of3A_163] : memref<320000xi32, #tpu.memory_space<hbm>> -> memref<128xi32, #tpu.memory_space<hbm>>
          tpu.wait_dma2 semaphore(%arg18 : memref<!tpu.dma_semaphore, #tpu.memory_space<semaphore_mem>>) src(%dma_wait3A_167 : memref<128xi32, #tpu.memory_space<hbm>>) dst(%arg11 : memref<128xi32, #tpu.memory_space<vmem>>)
          %dma_start3A_168 = arith.constant 0 : i32
          %dma_start3A_169 = arith.constant 0 : i32
          %dma_start3A_170 = tpu.memref_slice %arg2[%dma_start3A_168, %dma_start3A_169] : memref<10000x128xf32, #tpu.memory_space<hbm>> -> memref<10000x128xf32, #tpu.memory_space<hbm>>
          tpu.enqueue_indirect_dma source(%dma_start3A_170 : memref<10000x128xf32, #tpu.memory_space<hbm>>) target(%arg13 : memref<128x128xf32, #tpu.memory_space<vmem>>) offsets(%arg9 : memref<128xi32, #tpu.memory_space<vmem>>) semaphore(%arg16 : memref<!tpu.dma_semaphore, #tpu.memory_space<semaphore_mem>>)
        } else {
        }
        %dma_wait3A_151 = arith.constant 0 : i32
        %dma_wait3A_152 = arith.constant 0 : i32
        %dma_wait3A_153 = tpu.memref_slice %arg2[%dma_wait3A_151, %dma_wait3A_152] : memref<10000x128xf32, #tpu.memory_space<hbm>> -> memref<10000x128xf32, #tpu.memory_space<hbm>>
        tpu.wait_indirect_dma semaphore(%arg17 : memref<!tpu.dma_semaphore, #tpu.memory_space<semaphore_mem>>) src(%dma_wait3A_153 : memref<10000x128xf32, #tpu.memory_space<hbm>>) dst(%arg14 : memref<128x128xf32, #tpu.memory_space<vmem>>)
        "tpu.region"() ({
          %run_scoped3A = tpu.sem_alloc : memref<!tpu.dma_semaphore, #tpu.memory_space<semaphore_mem>>
          %dma_start3A_158 = arith.constant 0 : i32
          %dma_start3A_159 = arith.constant 0 : i32
          %dma_start3A_160 = tpu.memref_slice %arg7[%dma_start3A_158, %dma_start3A_159] : memref<10240x128xf32, #tpu.memory_space<vmem_shared>> -> memref<10240x128xf32, #tpu.memory_space<vmem_shared>>
          tpu.enqueue_indirect_dma source(%arg14 : memref<128x128xf32, #tpu.memory_space<vmem>>) target(%dma_start3A_160 : memref<10240x128xf32, #tpu.memory_space<vmem_shared>>) offsets(%arg12 : memref<128xi32, #tpu.memory_space<vmem>>) semaphore(%run_scoped3A : memref<!tpu.dma_semaphore, #tpu.memory_space<semaphore_mem>>) {add = true}
          %dma_wait3A_161 = arith.constant 0 : i32
          %dma_wait3A_162 = arith.constant 0 : i32
          %dma_wait3A_163 = tpu.memref_slice %arg7[%dma_wait3A_161, %dma_wait3A_162] : memref<10240x128xf32, #tpu.memory_space<vmem_shared>> -> memref<10240x128xf32, #tpu.memory_space<vmem_shared>>
          tpu.wait_indirect_dma semaphore(%run_scoped3A : memref<!tpu.dma_semaphore, #tpu.memory_space<semaphore_mem>>) src(%arg14 : memref<128x128xf32, #tpu.memory_space<vmem>>) dst(%dma_wait3A_163 : memref<10240x128xf32, #tpu.memory_space<vmem_shared>>)
          tpu.yield
        }) : () -> ()
        "tpu.region"() ({
          %run_scoped3A = tpu.sem_alloc : memref<!tpu.dma_semaphore, #tpu.memory_space<semaphore_mem>>
          %dma_start3A_158 = arith.constant 0 : i32
          %dma_start3A_159 = arith.constant 0 : i32
          %dma_start3A_160 = tpu.memref_slice %arg8[%dma_start3A_158, %dma_start3A_159] : memref<10240x16xf32, #tpu.memory_space<vmem_shared>> -> memref<10240x16xf32, #tpu.memory_space<vmem_shared>>
          tpu.enqueue_indirect_dma source(%arg15 : memref<128x16xf32, #tpu.memory_space<vmem>>) target(%dma_start3A_160 : memref<10240x16xf32, #tpu.memory_space<vmem_shared>>) offsets(%arg12 : memref<128xi32, #tpu.memory_space<vmem>>) semaphore(%run_scoped3A : memref<!tpu.dma_semaphore, #tpu.memory_space<semaphore_mem>>) {add = true}
          %dma_wait3A_161 = arith.constant 0 : i32
          %dma_wait3A_162 = arith.constant 0 : i32
          %dma_wait3A_163 = tpu.memref_slice %arg8[%dma_wait3A_161, %dma_wait3A_162] : memref<10240x16xf32, #tpu.memory_space<vmem_shared>> -> memref<10240x16xf32, #tpu.memory_space<vmem_shared>>
          tpu.wait_indirect_dma semaphore(%run_scoped3A : memref<!tpu.dma_semaphore, #tpu.memory_space<semaphore_mem>>) src(%arg15 : memref<128x16xf32, #tpu.memory_space<vmem>>) dst(%dma_wait3A_163 : memref<10240x16xf32, #tpu.memory_space<vmem_shared>>)
          tpu.yield
        }) : () -> ()
        %lt3A_154 = arith.cmpi slt, %add3A_133, %select_n3A : i32
        %convert_element_type3A_155 = arith.extui %lt3A_154 : i1 to i32
        %cond3A_156 = arith.constant 0 : i32
        %cond3A_157 = arith.cmpi ne, %convert_element_type3A_155, %cond3A_156 : i32
        scf.if %cond3A_157 {
          %mul3A_158 = arith.constant 32 : i32
          %mul3A_159 = arith.muli %add3A_133, %mul3A_158 : i32
          %add3A_160 = arith.addi %add3A, %mul3A_159 : i32
          %mul3A_161 = arith.constant 128 : i32
          %mul3A_162 = arith.muli %add3A_160, %mul3A_161 : i32
          %multiple_of3A_163 = tpu.assume_multiple %mul3A_162, 128 : i32
          %dma_start3A_164 = tpu.memref_slice %arg3[%multiple_of3A_163] : memref<320000xi32, #tpu.memory_space<hbm>> -> memref<128xi32, #tpu.memory_space<hbm>>
          %dma_start3A_165 = tpu.memref_slice %arg3[%multiple_of3A_163] : memref<320000xi32, #tpu.memory_space<hbm>> -> memref<128xi32, #tpu.memory_space<hbm>>
          tpu.enqueue_dma source(%dma_start3A_165 : memref<128xi32, #tpu.memory_space<hbm>>) target(%arg10 : memref<128xi32, #tpu.memory_space<vmem>>) target_semaphore(%arg19 : memref<!tpu.dma_semaphore, #tpu.memory_space<semaphore_mem>>)
          %dma_start3A_166 = tpu.memref_slice %arg4[%multiple_of3A_163] : memref<320000xi32, #tpu.memory_space<hbm>> -> memref<128xi32, #tpu.memory_space<hbm>>
          %dma_start3A_167 = tpu.memref_slice %arg4[%multiple_of3A_163] : memref<320000xi32, #tpu.memory_space<hbm>> -> memref<128xi32, #tpu.memory_space<hbm>>
          tpu.enqueue_dma source(%dma_start3A_167 : memref<128xi32, #tpu.memory_space<hbm>>) target(%arg12 : memref<128xi32, #tpu.memory_space<vmem>>) target_semaphore(%arg19 : memref<!tpu.dma_semaphore, #tpu.memory_space<semaphore_mem>>)
        } else {
        }
      } else {
      }
      %while3A_146 = arith.constant 0 : i32
      scf.yield %while3A_146 : i32
    }
    %while3A_121 = arith.constant 1 : i32
    %while3A_122 = scf.for %while3A_124 = %while3A_118 to %while3A_114 step %while3A_121 iter_args(%while3A_125 = %while3A_120) -> (i32)  : i32 {
      %mul3A_126 = arith.constant 2 : i32
      %mul3A_127 = arith.muli %mul3A_126, %while3A_124 : i32
      %add3A_128 = arith.constant 1 : i32
      %add3A_129 = arith.addi %mul3A_127, %add3A_128 : i32
      %add3A_130 = arith.constant 2 : i32
      %add3A_131 = arith.addi %mul3A_127, %add3A_130 : i32
      %add3A_132 = arith.constant 3 : i32
      %add3A_133 = arith.addi %mul3A_127, %add3A_132 : i32
      %lt3A = arith.cmpi slt, %add3A_129, %select_n3A : i32
      %convert_element_type3A = arith.extui %lt3A : i1 to i32
      %cond3A = arith.constant 0 : i32
      %cond3A_134 = arith.cmpi ne, %convert_element_type3A, %cond3A : i32
      scf.if %cond3A_134 {
        %mul3A_147 = arith.constant 32 : i32
        %mul3A_148 = arith.muli %add3A_129, %mul3A_147 : i32
        %add3A_149 = arith.addi %add3A, %mul3A_148 : i32
        %mul3A_150 = arith.constant 128 : i32
        %mul3A_151 = arith.muli %add3A_149, %mul3A_150 : i32
        %multiple_of3A_152 = tpu.assume_multiple %mul3A_151, 128 : i32
        %dma_wait3A_153 = tpu.memref_slice %arg3[%multiple_of3A_152] : memref<320000xi32, #tpu.memory_space<hbm>> -> memref<128xi32, #tpu.memory_space<hbm>>
        %dma_wait3A_154 = tpu.memref_slice %arg3[%multiple_of3A_152] : memref<320000xi32, #tpu.memory_space<hbm>> -> memref<128xi32, #tpu.memory_space<hbm>>
        tpu.wait_dma2 semaphore(%arg19 : memref<!tpu.dma_semaphore, #tpu.memory_space<semaphore_mem>>) src(%dma_wait3A_154 : memref<128xi32, #tpu.memory_space<hbm>>) dst(%arg10 : memref<128xi32, #tpu.memory_space<vmem>>)
        %dma_wait3A_155 = tpu.memref_slice %arg4[%multiple_of3A_152] : memref<320000xi32, #tpu.memory_space<hbm>> -> memref<128xi32, #tpu.memory_space<hbm>>
        %dma_wait3A_156 = tpu.memref_slice %arg4[%multiple_of3A_152] : memref<320000xi32, #tpu.memory_space<hbm>> -> memref<128xi32, #tpu.memory_space<hbm>>
        tpu.wait_dma2 semaphore(%arg19 : memref<!tpu.dma_semaphore, #tpu.memory_space<semaphore_mem>>) src(%dma_wait3A_156 : memref<128xi32, #tpu.memory_space<hbm>>) dst(%arg12 : memref<128xi32, #tpu.memory_space<vmem>>)
        %dma_start3A_157 = arith.constant 0 : i32
        %dma_start3A_158 = arith.constant 0 : i32
        %dma_start3A_159 = tpu.memref_slice %arg2[%dma_start3A_157, %dma_start3A_158] : memref<10000x128xf32, #tpu.memory_space<hbm>> -> memref<10000x128xf32, #tpu.memory_space<hbm>>
        tpu.enqueue_indirect_dma source(%dma_start3A_159 : memref<10000x128xf32, #tpu.memory_space<hbm>>) target(%arg14 : memref<128x128xf32, #tpu.memory_space<vmem>>) offsets(%arg10 : memref<128xi32, #tpu.memory_space<vmem>>) semaphore(%arg17 : memref<!tpu.dma_semaphore, #tpu.memory_space<semaphore_mem>>)
      } else {
      }
      %dma_wait3A_135 = arith.constant 0 : i32
      %dma_wait3A_136 = arith.constant 0 : i32
      %dma_wait3A_137 = tpu.memref_slice %arg2[%dma_wait3A_135, %dma_wait3A_136] : memref<10000x128xf32, #tpu.memory_space<hbm>> -> memref<10000x128xf32, #tpu.memory_space<hbm>>
      tpu.wait_indirect_dma semaphore(%arg16 : memref<!tpu.dma_semaphore, #tpu.memory_space<semaphore_mem>>) src(%dma_wait3A_137 : memref<10000x128xf32, #tpu.memory_space<hbm>>) dst(%arg13 : memref<128x128xf32, #tpu.memory_space<vmem>>)
      "tpu.region"() ({
        %run_scoped3A = tpu.sem_alloc : memref<!tpu.dma_semaphore, #tpu.memory_space<semaphore_mem>>
        %dma_start3A_147 = arith.constant 0 : i32
        %dma_start3A_148 = arith.constant 0 : i32
        %dma_start3A_149 = tpu.memref_slice %arg7[%dma_start3A_147, %dma_start3A_148] : memref<10240x128xf32, #tpu.memory_space<vmem_shared>> -> memref<10240x128xf32, #tpu.memory_space<vmem_shared>>
        tpu.enqueue_indirect_dma source(%arg13 : memref<128x128xf32, #tpu.memory_space<vmem>>) target(%dma_start3A_149 : memref<10240x128xf32, #tpu.memory_space<vmem_shared>>) offsets(%arg11 : memref<128xi32, #tpu.memory_space<vmem>>) semaphore(%run_scoped3A : memref<!tpu.dma_semaphore, #tpu.memory_space<semaphore_mem>>) {add = true}
        %dma_wait3A_150 = arith.constant 0 : i32
        %dma_wait3A_151 = arith.constant 0 : i32
        %dma_wait3A_152 = tpu.memref_slice %arg7[%dma_wait3A_150, %dma_wait3A_151] : memref<10240x128xf32, #tpu.memory_space<vmem_shared>> -> memref<10240x128xf32, #tpu.memory_space<vmem_shared>>
        tpu.wait_indirect_dma semaphore(%run_scoped3A : memref<!tpu.dma_semaphore, #tpu.memory_space<semaphore_mem>>) src(%arg13 : memref<128x128xf32, #tpu.memory_space<vmem>>) dst(%dma_wait3A_152 : memref<10240x128xf32, #tpu.memory_space<vmem_shared>>)
        tpu.yield
      }) : () -> ()
      "tpu.region"() ({
        %run_scoped3A = tpu.sem_alloc : memref<!tpu.dma_semaphore, #tpu.memory_space<semaphore_mem>>
        %dma_start3A_147 = arith.constant 0 : i32
        %dma_start3A_148 = arith.constant 0 : i32
        %dma_start3A_149 = tpu.memref_slice %arg8[%dma_start3A_147, %dma_start3A_148] : memref<10240x16xf32, #tpu.memory_space<vmem_shared>> -> memref<10240x16xf32, #tpu.memory_space<vmem_shared>>
        tpu.enqueue_indirect_dma source(%arg15 : memref<128x16xf32, #tpu.memory_space<vmem>>) target(%dma_start3A_149 : memref<10240x16xf32, #tpu.memory_space<vmem_shared>>) offsets(%arg11 : memref<128xi32, #tpu.memory_space<vmem>>) semaphore(%run_scoped3A : memref<!tpu.dma_semaphore, #tpu.memory_space<semaphore_mem>>) {add = true}
        %dma_wait3A_150 = arith.constant 0 : i32
        %dma_wait3A_151 = arith.constant 0 : i32
        %dma_wait3A_152 = tpu.memref_slice %arg8[%dma_wait3A_150, %dma_wait3A_151] : memref<10240x16xf32, #tpu.memory_space<vmem_shared>> -> memref<10240x16xf32, #tpu.memory_space<vmem_shared>>
        tpu.wait_indirect_dma semaphore(%run_scoped3A : memref<!tpu.dma_semaphore, #tpu.memory_space<semaphore_mem>>) src(%arg15 : memref<128x16xf32, #tpu.memory_space<vmem>>) dst(%dma_wait3A_152 : memref<10240x16xf32, #tpu.memory_space<vmem_shared>>)
        tpu.yield
      }) : () -> ()
      %lt3A_138 = arith.cmpi slt, %add3A_131, %select_n3A : i32
      %convert_element_type3A_139 = arith.extui %lt3A_138 : i1 to i32
      %cond3A_140 = arith.constant 0 : i32
      %cond3A_141 = arith.cmpi ne, %convert_element_type3A_139, %cond3A_140 : i32
      scf.if %cond3A_141 {
        %mul3A_147 = arith.constant 32 : i32
        %mul3A_148 = arith.muli %add3A_131, %mul3A_147 : i32
        %add3A_149 = arith.addi %add3A, %mul3A_148 : i32
        %mul3A_150 = arith.constant 128 : i32
        %mul3A_151 = arith.muli %add3A_149, %mul3A_150 : i32
        %multiple_of3A_152 = tpu.assume_multiple %mul3A_151, 128 : i32
        %dma_start3A_153 = tpu.memref_slice %arg3[%multiple_of3A_152] : memref<320000xi32, #tpu.memory_space<hbm>> -> memref<128xi32, #tpu.memory_space<hbm>>
        %dma_start3A_154 = tpu.memref_slice %arg3[%multiple_of3A_152] : memref<320000xi32, #tpu.memory_space<hbm>> -> memref<128xi32, #tpu.memory_space<hbm>>
        tpu.enqueue_dma source(%dma_start3A_154 : memref<128xi32, #tpu.memory_space<hbm>>) target(%arg9 : memref<128xi32, #tpu.memory_space<vmem>>) target_semaphore(%arg18 : memref<!tpu.dma_semaphore, #tpu.memory_space<semaphore_mem>>)
        %dma_start3A_155 = tpu.memref_slice %arg4[%multiple_of3A_152] : memref<320000xi32, #tpu.memory_space<hbm>> -> memref<128xi32, #tpu.memory_space<hbm>>
        %dma_start3A_156 = tpu.memref_slice %arg4[%multiple_of3A_152] : memref<320000xi32, #tpu.memory_space<hbm>> -> memref<128xi32, #tpu.memory_space<hbm>>
        tpu.enqueue_dma source(%dma_start3A_156 : memref<128xi32, #tpu.memory_space<hbm>>) target(%arg11 : memref<128xi32, #tpu.memory_space<vmem>>) target_semaphore(%arg18 : memref<!tpu.dma_semaphore, #tpu.memory_space<semaphore_mem>>)
      } else {
      }
      %lt3A_142 = arith.cmpi slt, %add3A_129, %select_n3A : i32
      %convert_element_type3A_143 = arith.extui %lt3A_142 : i1 to i32
      %cond3A_144 = arith.constant 0 : i32
      %cond3A_145 = arith.cmpi ne, %convert_element_type3A_143, %cond3A_144 : i32
      scf.if %cond3A_145 {
        %lt3A_147 = arith.cmpi slt, %add3A_131, %select_n3A : i32
        %convert_element_type3A_148 = arith.extui %lt3A_147 : i1 to i32
        %cond3A_149 = arith.constant 0 : i32
        %cond3A_150 = arith.cmpi ne, %convert_element_type3A_148, %cond3A_149 : i32
        scf.if %cond3A_150 {
          %mul3A_158 = arith.constant 32 : i32
          %mul3A_159 = arith.muli %add3A_131, %mul3A_158 : i32
          %add3A_160 = arith.addi %add3A, %mul3A_159 : i32
          %mul3A_161 = arith.constant 128 : i32
          %mul3A_162 = arith.muli %add3A_160, %mul3A_161 : i32
          %multiple_of3A_163 = tpu.assume_multiple %mul3A_162, 128 : i32
          %dma_wait3A_164 = tpu.memref_slice %arg3[%multiple_of3A_163] : memref<320000xi32, #tpu.memory_space<hbm>> -> memref<128xi32, #tpu.memory_space<hbm>>
          %dma_wait3A_165 = tpu.memref_slice %arg3[%multiple_of3A_163] : memref<320000xi32, #tpu.memory_space<hbm>> -> memref<128xi32, #tpu.memory_space<hbm>>
          tpu.wait_dma2 semaphore(%arg18 : memref<!tpu.dma_semaphore, #tpu.memory_space<semaphore_mem>>) src(%dma_wait3A_165 : memref<128xi32, #tpu.memory_space<hbm>>) dst(%arg9 : memref<128xi32, #tpu.memory_space<vmem>>)
          %dma_wait3A_166 = tpu.memref_slice %arg4[%multiple_of3A_163] : memref<320000xi32, #tpu.memory_space<hbm>> -> memref<128xi32, #tpu.memory_space<hbm>>
          %dma_wait3A_167 = tpu.memref_slice %arg4[%multiple_of3A_163] : memref<320000xi32, #tpu.memory_space<hbm>> -> memref<128xi32, #tpu.memory_space<hbm>>
          tpu.wait_dma2 semaphore(%arg18 : memref<!tpu.dma_semaphore, #tpu.memory_space<semaphore_mem>>) src(%dma_wait3A_167 : memref<128xi32, #tpu.memory_space<hbm>>) dst(%arg11 : memref<128xi32, #tpu.memory_space<vmem>>)
          %dma_start3A_168 = arith.constant 0 : i32
          %dma_start3A_169 = arith.constant 0 : i32
          %dma_start3A_170 = tpu.memref_slice %arg2[%dma_start3A_168, %dma_start3A_169] : memref<10000x128xf32, #tpu.memory_space<hbm>> -> memref<10000x128xf32, #tpu.memory_space<hbm>>
          tpu.enqueue_indirect_dma source(%dma_start3A_170 : memref<10000x128xf32, #tpu.memory_space<hbm>>) target(%arg13 : memref<128x128xf32, #tpu.memory_space<vmem>>) offsets(%arg9 : memref<128xi32, #tpu.memory_space<vmem>>) semaphore(%arg16 : memref<!tpu.dma_semaphore, #tpu.memory_space<semaphore_mem>>)
        } else {
        }
        %dma_wait3A_151 = arith.constant 0 : i32
        %dma_wait3A_152 = arith.constant 0 : i32
        %dma_wait3A_153 = tpu.memref_slice %arg2[%dma_wait3A_151, %dma_wait3A_152] : memref<10000x128xf32, #tpu.memory_space<hbm>> -> memref<10000x128xf32, #tpu.memory_space<hbm>>
        tpu.wait_indirect_dma semaphore(%arg17 : memref<!tpu.dma_semaphore, #tpu.memory_space<semaphore_mem>>) src(%dma_wait3A_153 : memref<10000x128xf32, #tpu.memory_space<hbm>>) dst(%arg14 : memref<128x128xf32, #tpu.memory_space<vmem>>)
        "tpu.region"() ({
          %run_scoped3A = tpu.sem_alloc : memref<!tpu.dma_semaphore, #tpu.memory_space<semaphore_mem>>
          %dma_start3A_158 = arith.constant 0 : i32
          %dma_start3A_159 = arith.constant 0 : i32
          %dma_start3A_160 = tpu.memref_slice %arg7[%dma_start3A_158, %dma_start3A_159] : memref<10240x128xf32, #tpu.memory_space<vmem_shared>> -> memref<10240x128xf32, #tpu.memory_space<vmem_shared>>
          tpu.enqueue_indirect_dma source(%arg14 : memref<128x128xf32, #tpu.memory_space<vmem>>) target(%dma_start3A_160 : memref<10240x128xf32, #tpu.memory_space<vmem_shared>>) offsets(%arg12 : memref<128xi32, #tpu.memory_space<vmem>>) semaphore(%run_scoped3A : memref<!tpu.dma_semaphore, #tpu.memory_space<semaphore_mem>>) {add = true}
          %dma_wait3A_161 = arith.constant 0 : i32
          %dma_wait3A_162 = arith.constant 0 : i32
          %dma_wait3A_163 = tpu.memref_slice %arg7[%dma_wait3A_161, %dma_wait3A_162] : memref<10240x128xf32, #tpu.memory_space<vmem_shared>> -> memref<10240x128xf32, #tpu.memory_space<vmem_shared>>
          tpu.wait_indirect_dma semaphore(%run_scoped3A : memref<!tpu.dma_semaphore, #tpu.memory_space<semaphore_mem>>) src(%arg14 : memref<128x128xf32, #tpu.memory_space<vmem>>) dst(%dma_wait3A_163 : memref<10240x128xf32, #tpu.memory_space<vmem_shared>>)
          tpu.yield
        }) : () -> ()
        "tpu.region"() ({
          %run_scoped3A = tpu.sem_alloc : memref<!tpu.dma_semaphore, #tpu.memory_space<semaphore_mem>>
          %dma_start3A_158 = arith.constant 0 : i32
          %dma_start3A_159 = arith.constant 0 : i32
          %dma_start3A_160 = tpu.memref_slice %arg8[%dma_start3A_158, %dma_start3A_159] : memref<10240x16xf32, #tpu.memory_space<vmem_shared>> -> memref<10240x16xf32, #tpu.memory_space<vmem_shared>>
          tpu.enqueue_indirect_dma source(%arg15 : memref<128x16xf32, #tpu.memory_space<vmem>>) target(%dma_start3A_160 : memref<10240x16xf32, #tpu.memory_space<vmem_shared>>) offsets(%arg12 : memref<128xi32, #tpu.memory_space<vmem>>) semaphore(%run_scoped3A : memref<!tpu.dma_semaphore, #tpu.memory_space<semaphore_mem>>) {add = true}
          %dma_wait3A_161 = arith.constant 0 : i32
          %dma_wait3A_162 = arith.constant 0 : i32
          %dma_wait3A_163 = tpu.memref_slice %arg8[%dma_wait3A_161, %dma_wait3A_162] : memref<10240x16xf32, #tpu.memory_space<vmem_shared>> -> memref<10240x16xf32, #tpu.memory_space<vmem_shared>>
          tpu.wait_indirect_dma semaphore(%run_scoped3A : memref<!tpu.dma_semaphore, #tpu.memory_space<semaphore_mem>>) src(%arg15 : memref<128x16xf32, #tpu.memory_space<vmem>>) dst(%dma_wait3A_163 : memref<10240x16xf32, #tpu.memory_space<vmem_shared>>)
          tpu.yield
        }) : () -> ()
        %lt3A_154 = arith.cmpi slt, %add3A_133, %select_n3A : i32
        %convert_element_type3A_155 = arith.extui %lt3A_154 : i1 to i32
        %cond3A_156 = arith.constant 0 : i32
        %cond3A_157 = arith.cmpi ne, %convert_element_type3A_155, %cond3A_156 : i32
        scf.if %cond3A_157 {
          %mul3A_158 = arith.constant 32 : i32
          %mul3A_159 = arith.muli %add3A_133, %mul3A_158 : i32
          %add3A_160 = arith.addi %add3A, %mul3A_159 : i32
          %mul3A_161 = arith.constant 128 : i32
          %mul3A_162 = arith.muli %add3A_160, %mul3A_161 : i32
          %multiple_of3A_163 = tpu.assume_multiple %mul3A_162, 128 : i32
          %dma_start3A_164 = tpu.memref_slice %arg3[%multiple_of3A_163] : memref<320000xi32, #tpu.memory_space<hbm>> -> memref<128xi32, #tpu.memory_space<hbm>>
          %dma_start3A_165 = tpu.memref_slice %arg3[%multiple_of3A_163] : memref<320000xi32, #tpu.memory_space<hbm>> -> memref<128xi32, #tpu.memory_space<hbm>>
          tpu.enqueue_dma source(%dma_start3A_165 : memref<128xi32, #tpu.memory_space<hbm>>) target(%arg10 : memref<128xi32, #tpu.memory_space<vmem>>) target_semaphore(%arg19 : memref<!tpu.dma_semaphore, #tpu.memory_space<semaphore_mem>>)
          %dma_start3A_166 = tpu.memref_slice %arg4[%multiple_of3A_163] : memref<320000xi32, #tpu.memory_space<hbm>> -> memref<128xi32, #tpu.memory_space<hbm>>
          %dma_start3A_167 = tpu.memref_slice %arg4[%multiple_of3A_163] : memref<320000xi32, #tpu.memory_space<hbm>> -> memref<128xi32, #tpu.memory_space<hbm>>
          tpu.enqueue_dma source(%dma_start3A_167 : memref<128xi32, #tpu.memory_space<hbm>>) target(%arg12 : memref<128xi32, #tpu.memory_space<vmem>>) target_semaphore(%arg19 : memref<!tpu.dma_semaphore, #tpu.memory_space<semaphore_mem>>)
        } else {
        }
      } else {
      }
      %while3A_146 = arith.constant 0 : i32
      scf.yield %while3A_146 : i32
    }
    %barrier3A_123 = arith.constant 0 : index
    tpu.barrier barrier_id(%barrier3A_123)
    "tpu.region"() ({
      %run_scoped3A = tpu.sem_alloc : memref<!tpu.dma_semaphore, #tpu.memory_space<semaphore_mem>>
      %dma_start3A_124 = arith.constant 0 : i32
      %dma_start3A_125 = tpu.memref_slice %arg5[%arg0, %mul3A_47, %dma_start3A_124] : memref<2x10240x128xf32, #tpu.memory_space<hbm>> -> memref<1x640x128xf32, #tpu.memory_space<hbm>>
      %dma_start3A_126 = tpu.memref_squeeze %dma_start3A_125 : memref<1x640x128xf32, #tpu.memory_space<hbm>> -> memref<640x128xf32, #tpu.memory_space<hbm>>
      %dma_start3A_127 = arith.constant 0 : i32
      %dma_start3A_128 = tpu.memref_slice %arg7[%mul3A_47, %dma_start3A_127] : memref<10240x128xf32, #tpu.memory_space<vmem_shared>> -> memref<640x128xf32, #tpu.memory_space<vmem_shared>>
      tpu.enqueue_dma source(%dma_start3A_128 : memref<640x128xf32, #tpu.memory_space<vmem_shared>>) target(%dma_start3A_126 : memref<640x128xf32, #tpu.memory_space<hbm>>) target_semaphore(%run_scoped3A : memref<!tpu.dma_semaphore, #tpu.memory_space<semaphore_mem>>)
      %dma_wait3A_129 = arith.constant 0 : i32
      %dma_wait3A_130 = tpu.memref_slice %arg5[%arg0, %mul3A_47, %dma_wait3A_129] : memref<2x10240x128xf32, #tpu.memory_space<hbm>> -> memref<1x640x128xf32, #tpu.memory_space<hbm>>
      %dma_wait3A_131 = tpu.memref_squeeze %dma_wait3A_130 : memref<1x640x128xf32, #tpu.memory_space<hbm>> -> memref<640x128xf32, #tpu.memory_space<hbm>>
      %dma_wait3A_132 = arith.constant 0 : i32
      %dma_wait3A_133 = tpu.memref_slice %arg7[%mul3A_47, %dma_wait3A_132] : memref<10240x128xf32, #tpu.memory_space<vmem_shared>> -> memref<640x128xf32, #tpu.memory_space<vmem_shared>>
      tpu.wait_dma2 semaphore(%run_scoped3A : memref<!tpu.dma_semaphore, #tpu.memory_space<semaphore_mem>>) src(%dma_wait3A_133 : memref<640x128xf32, #tpu.memory_space<vmem_shared>>) dst(%dma_wait3A_131 : memref<640x128xf32, #tpu.memory_space<hbm>>)
      tpu.yield
    }) : () -> ()
    "tpu.region"() ({
      %run_scoped3A = tpu.sem_alloc : memref<!tpu.dma_semaphore, #tpu.memory_space<semaphore_mem>>
      %dma_start3A_124 = arith.constant 0 : i32
      %dma_start3A_125 = tpu.memref_slice %arg6[%arg0, %mul3A_47, %dma_start3A_124] : memref<2x10240x16xf32, #tpu.memory_space<hbm>> -> memref<1x640x16xf32, #tpu.memory_space<hbm>>
      %dma_start3A_126 = tpu.memref_squeeze %dma_start3A_125 : memref<1x640x16xf32, #tpu.memory_space<hbm>> -> memref<640x16xf32, #tpu.memory_space<hbm>>
      %dma_start3A_127 = arith.constant 0 : i32
      %dma_start3A_128 = tpu.memref_slice %arg8[%mul3A_47, %dma_start3A_127] : memref<10240x16xf32, #tpu.memory_space<vmem_shared>> -> memref<640x16xf32, #tpu.memory_space<vmem_shared>>
      tpu.enqueue_dma source(%dma_start3A_128 : memref<640x16xf32, #tpu.memory_space<vmem_shared>>) target(%dma_start3A_126 : memref<640x16xf32, #tpu.memory_space<hbm>>) target_semaphore(%run_scoped3A : memref<!tpu.dma_semaphore, #tpu.memory_space<semaphore_mem>>)
      %dma_wait3A_129 = arith.constant 0 : i32
      %dma_wait3A_130 = tpu.memref_slice %arg6[%arg0, %mul3A_47, %dma_wait3A_129] : memref<2x10240x16xf32, #tpu.memory_space<hbm>> -> memref<1x640x16xf32, #tpu.memory_space<hbm>>
      %dma_wait3A_131 = tpu.memref_squeeze %dma_wait3A_130 : memref<1x640x16xf32, #tpu.memory_space<hbm>> -> memref<640x16xf32, #tpu.memory_space<hbm>>
      %dma_wait3A_132 = arith.constant 0 : i32
      %dma_wait3A_133 = tpu.memref_slice %arg8[%mul3A_47, %dma_wait3A_132] : memref<10240x16xf32, #tpu.memory_space<vmem_shared>> -> memref<640x16xf32, #tpu.memory_space<vmem_shared>>
      tpu.wait_dma2 semaphore(%run_scoped3A : memref<!tpu.dma_semaphore, #tpu.memory_space<semaphore_mem>>) src(%dma_wait3A_133 : memref<640x16xf32, #tpu.memory_space<vmem_shared>>) dst(%dma_wait3A_131 : memref<640x16xf32, #tpu.memory_space<hbm>>)
      tpu.yield
    }) : () -> ()
    return
  }
}

#map = affine_map<(d0, d1) -> (0, 0)>
#map1 = affine_map<(d0, d1) -> (0)>
#map2 = affine_map<(d0, d1) -> (0, 0, 0)>
module attributes {stable_mosaic.version = 14 : i64} {
  func.func @sc_segsum_d64(%arg0: i32, %arg1: i32, %arg2: memref<10000x64xf32, #tpu.memory_space<hbm>>, %arg3: memref<320000xi32, #tpu.memory_space<hbm>>, %arg4: memref<320000xi32, #tpu.memory_space<hbm>>, %arg5: memref<2x10240x64xf32, #tpu.memory_space<hbm>>, %arg6: memref<10240x64xf32, #tpu.memory_space<vmem_shared>>, %arg7: memref<128xi32, #tpu.memory_space<vmem>>, %arg8: memref<128xi32, #tpu.memory_space<vmem>>, %arg9: memref<128xi32, #tpu.memory_space<vmem>>, %arg10: memref<128xi32, #tpu.memory_space<vmem>>, %arg11: memref<128x64xf32, #tpu.memory_space<vmem>>, %arg12: memref<128x64xf32, #tpu.memory_space<vmem>>, %arg13: memref<!tpu.dma_semaphore, #tpu.memory_space<semaphore_mem>>, %arg14: memref<!tpu.dma_semaphore, #tpu.memory_space<semaphore_mem>>, %arg15: memref<!tpu.dma_semaphore, #tpu.memory_space<semaphore_mem>>, %arg16: memref<!tpu.dma_semaphore, #tpu.memory_space<semaphore_mem>>) attributes {dimension_semantics = [#tpu.dimension_semantics<core_parallel>, #tpu.dimension_semantics<subcore_parallel>], iteration_bounds = array<i64: 2, 16>, scalar_prefetch = 0 : i64, scratch_operands = 11 : i64, tpu.core_type = #tpu.core_type<sc_vector_subcore>, window_params = [{transform_indices = #map}, {transform_indices = #map1}, {transform_indices = #map1}, {transform_indices = #map2}]} {
    %mul3A = arith.constant 2 : i32
    %mul3A_0 = arith.muli %arg1, %mul3A : i32
    %add3A = arith.addi %mul3A_0, %arg0 : i32
    %sub3A = arith.constant 2500 : i32
    %sub3A_1 = arith.subi %sub3A, %add3A : i32
    %add3A_2 = arith.constant 32 : i32
    %add3A_3 = arith.addi %sub3A_1, %add3A_2 : i32
    %sub3A_4 = arith.constant 1 : i32
    %sub3A_5 = arith.subi %add3A_3, %sub3A_4 : i32
    %jit3A = arith.constant 32 : i32
    %div3A = arith.divsi %sub3A_5, %jit3A : i32
    %sign3A = arith.constant 0 : i32
    %sign3A_6 = arith.cmpi sgt, %sub3A_5, %sign3A : i32
    %sign3A_7 = arith.extui %sign3A_6 : i1 to i32
    %sign3A_8 = arith.constant 0 : i32
    %sign3A_9 = arith.cmpi slt, %sub3A_5, %sign3A_8 : i32
    %sign3A_10 = arith.extui %sign3A_9 : i1 to i32
    %sign3A_11 = arith.subi %sign3A_7, %sign3A_10 : i32
    %sign3A_12 = arith.constant 0 : i32
    %sign3A_13 = arith.cmpi sgt, %jit3A, %sign3A_12 : i32
    %sign3A_14 = arith.extui %sign3A_13 : i1 to i32
    %sign3A_15 = arith.constant 0 : i32
    %sign3A_16 = arith.cmpi slt, %jit3A, %sign3A_15 : i32
    %sign3A_17 = arith.extui %sign3A_16 : i1 to i32
    %sign3A_18 = arith.subi %sign3A_14, %sign3A_17 : i32
    %ne3A = arith.cmpi ne, %sign3A_11, %sign3A_18 : i32
    %rem3A = arith.remsi %sub3A_5, %jit3A : i32
    %ne3A_19 = arith.constant 0 : i32
    %ne3A_20 = arith.cmpi ne, %rem3A, %ne3A_19 : i32
    %and3A = arith.andi %ne3A, %ne3A_20 : i1
    %sub3A_21 = arith.constant 1 : i32
    %sub3A_22 = arith.subi %div3A, %sub3A_21 : i32
    %select_n3A = arith.select %and3A, %sub3A_22, %div3A : i32
    %add3A_23 = arith.constant 0 : i32
    %add3A_24 = arith.addi %add3A, %add3A_23 : i32
    %mul3A_25 = arith.constant 128 : i32
    %mul3A_26 = arith.muli %add3A_24, %mul3A_25 : i32
    %multiple_of3A = tpu.assume_multiple %mul3A_26, 128 : i32
    %dma_start3A = tpu.memref_slice %arg3[%multiple_of3A] : memref<320000xi32, #tpu.memory_space<hbm>> -> memref<128xi32, #tpu.memory_space<hbm>>
    %dma_start3A_27 = tpu.memref_slice %arg3[%multiple_of3A] : memref<320000xi32, #tpu.memory_space<hbm>> -> memref<128xi32, #tpu.memory_space<hbm>>
    tpu.enqueue_dma source(%dma_start3A_27 : memref<128xi32, #tpu.memory_space<hbm>>) target(%arg7 : memref<128xi32, #tpu.memory_space<vmem>>) target_semaphore(%arg15 : memref<!tpu.dma_semaphore, #tpu.memory_space<semaphore_mem>>)
    %dma_start3A_28 = tpu.memref_slice %arg4[%multiple_of3A] : memref<320000xi32, #tpu.memory_space<hbm>> -> memref<128xi32, #tpu.memory_space<hbm>>
    %dma_start3A_29 = tpu.memref_slice %arg4[%multiple_of3A] : memref<320000xi32, #tpu.memory_space<hbm>> -> memref<128xi32, #tpu.memory_space<hbm>>
    tpu.enqueue_dma source(%dma_start3A_29 : memref<128xi32, #tpu.memory_space<hbm>>) target(%arg9 : memref<128xi32, #tpu.memory_space<vmem>>) target_semaphore(%arg15 : memref<!tpu.dma_semaphore, #tpu.memory_space<semaphore_mem>>)
    %add3A_30 = arith.constant 32 : i32
    %add3A_31 = arith.addi %add3A, %add3A_30 : i32
    %mul3A_32 = arith.constant 128 : i32
    %mul3A_33 = arith.muli %add3A_31, %mul3A_32 : i32
    %multiple_of3A_34 = tpu.assume_multiple %mul3A_33, 128 : i32
    %dma_start3A_35 = tpu.memref_slice %arg3[%multiple_of3A_34] : memref<320000xi32, #tpu.memory_space<hbm>> -> memref<128xi32, #tpu.memory_space<hbm>>
    %dma_start3A_36 = tpu.memref_slice %arg3[%multiple_of3A_34] : memref<320000xi32, #tpu.memory_space<hbm>> -> memref<128xi32, #tpu.memory_space<hbm>>
    tpu.enqueue_dma source(%dma_start3A_36 : memref<128xi32, #tpu.memory_space<hbm>>) target(%arg8 : memref<128xi32, #tpu.memory_space<vmem>>) target_semaphore(%arg16 : memref<!tpu.dma_semaphore, #tpu.memory_space<semaphore_mem>>)
    %dma_start3A_37 = tpu.memref_slice %arg4[%multiple_of3A_34] : memref<320000xi32, #tpu.memory_space<hbm>> -> memref<128xi32, #tpu.memory_space<hbm>>
    %dma_start3A_38 = tpu.memref_slice %arg4[%multiple_of3A_34] : memref<320000xi32, #tpu.memory_space<hbm>> -> memref<128xi32, #tpu.memory_space<hbm>>
    tpu.enqueue_dma source(%dma_start3A_38 : memref<128xi32, #tpu.memory_space<hbm>>) target(%arg10 : memref<128xi32, #tpu.memory_space<vmem>>) target_semaphore(%arg16 : memref<!tpu.dma_semaphore, #tpu.memory_space<semaphore_mem>>)
    %broadcast_in_dim3A = arith.constant 0.000000e+00 : f32
    %broadcast_in_dim3A_39 = vector.broadcast %broadcast_in_dim3A : f32 to vector<16xf32>
    %scan3A = arith.constant 0 : i32
    %scan3A_40 = arith.constant 0 : i32
    %scan3A_41 = arith.constant 128 : i32
    %scan3A_42 = arith.addi %scan3A_40, %scan3A_41 : i32
    %scan3A_43 = arith.constant 1 : i32
    %scan3A_44 = scf.for %scan3A_107 = %scan3A_40 to %scan3A_42 step %scan3A_43 iter_args(%scan3A_108 = %scan3A) -> (i32)  : i32 {
      %swap3A = arith.index_cast %scan3A_107 : i32 to index
      %swap3A_109 = arith.constant 0 : index
      %swap3A_110 = tpu.vector_load %arg11[%swap3A, %swap3A_109] {strides = array<i32>} : memref<128x64xf32, #tpu.memory_space<vmem>>, vector<1x16xf32>,
      %swap3A_111 = vector.shape_cast %swap3A_110 : vector<1x16xf32> to vector<16xf32>
      %swap3A_112 = vector.shape_cast %broadcast_in_dim3A_39 : vector<16xf32> to vector<1x16xf32>
      tpu.vector_store %arg11[%swap3A, %swap3A_109], %swap3A_112 {strides = array<i32>} : memref<128x64xf32, #tpu.memory_space<vmem>>, vector<1x16xf32>,
      %swap3A_113 = arith.index_cast %scan3A_107 : i32 to index
      %swap3A_114 = arith.constant 16 : index
      %swap3A_115 = tpu.vector_load %arg11[%swap3A_113, %swap3A_114] {strides = array<i32>} : memref<128x64xf32, #tpu.memory_space<vmem>>, vector<1x16xf32>,
      %swap3A_116 = vector.shape_cast %swap3A_115 : vector<1x16xf32> to vector<16xf32>
      %swap3A_117 = vector.shape_cast %broadcast_in_dim3A_39 : vector<16xf32> to vector<1x16xf32>
      tpu.vector_store %arg11[%swap3A_113, %swap3A_114], %swap3A_117 {strides = array<i32>} : memref<128x64xf32, #tpu.memory_space<vmem>>, vector<1x16xf32>,
      %swap3A_118 = arith.index_cast %scan3A_107 : i32 to index
      %swap3A_119 = arith.constant 32 : index
      %swap3A_120 = tpu.vector_load %arg11[%swap3A_118, %swap3A_119] {strides = array<i32>} : memref<128x64xf32, #tpu.memory_space<vmem>>, vector<1x16xf32>,
      %swap3A_121 = vector.shape_cast %swap3A_120 : vector<1x16xf32> to vector<16xf32>
      %swap3A_122 = vector.shape_cast %broadcast_in_dim3A_39 : vector<16xf32> to vector<1x16xf32>
      tpu.vector_store %arg11[%swap3A_118, %swap3A_119], %swap3A_122 {strides = array<i32>} : memref<128x64xf32, #tpu.memory_space<vmem>>, vector<1x16xf32>,
      %swap3A_123 = arith.index_cast %scan3A_107 : i32 to index
      %swap3A_124 = arith.constant 48 : index
      %swap3A_125 = tpu.vector_load %arg11[%swap3A_123, %swap3A_124] {strides = array<i32>} : memref<128x64xf32, #tpu.memory_space<vmem>>, vector<1x16xf32>,
      %swap3A_126 = vector.shape_cast %swap3A_125 : vector<1x16xf32> to vector<16xf32>
      %swap3A_127 = vector.shape_cast %broadcast_in_dim3A_39 : vector<16xf32> to vector<1x16xf32>
      tpu.vector_store %arg11[%swap3A_123, %swap3A_124], %swap3A_127 {strides = array<i32>} : memref<128x64xf32, #tpu.memory_space<vmem>>, vector<1x16xf32>,
      %scan3A_128 = arith.constant 0 : i32
      scf.yield %scan3A_128 : i32
    }
    %scan3A_45 = arith.constant 128 : i32
    %mul3A_46 = arith.constant 640 : i32
    %mul3A_47 = arith.muli %arg1, %mul3A_46 : i32
    %add3A_48 = arith.constant 0 : i32
    %add3A_49 = arith.addi %mul3A_47, %add3A_48 : i32
    "tpu.region"() ({
      %run_scoped3A = tpu.sem_alloc : memref<!tpu.dma_semaphore, #tpu.memory_space<semaphore_mem>>
      %dma_start3A_107 = arith.constant 0 : i32
      %dma_start3A_108 = tpu.memref_slice %arg6[%add3A_49, %dma_start3A_107] : memref<10240x64xf32, #tpu.memory_space<vmem_shared>> -> memref<128x64xf32, #tpu.memory_space<vmem_shared>>
      %dma_start3A_109 = arith.constant 0 : i32
      %dma_start3A_110 = tpu.memref_slice %arg6[%add3A_49, %dma_start3A_109] : memref<10240x64xf32, #tpu.memory_space<vmem_shared>> -> memref<128x64xf32, #tpu.memory_space<vmem_shared>>
      tpu.enqueue_dma source(%arg11 : memref<128x64xf32, #tpu.memory_space<vmem>>) target(%dma_start3A_110 : memref<128x64xf32, #tpu.memory_space<vmem_shared>>) target_semaphore(%run_scoped3A : memref<!tpu.dma_semaphore, #tpu.memory_space<semaphore_mem>>)
      %dma_wait3A_111 = arith.constant 0 : i32
      %dma_wait3A_112 = tpu.memref_slice %arg6[%add3A_49, %dma_wait3A_111] : memref<10240x64xf32, #tpu.memory_space<vmem_shared>> -> memref<128x64xf32, #tpu.memory_space<vmem_shared>>
      %dma_wait3A_113 = arith.constant 0 : i32
      %dma_wait3A_114 = tpu.memref_slice %arg6[%add3A_49, %dma_wait3A_113] : memref<10240x64xf32, #tpu.memory_space<vmem_shared>> -> memref<128x64xf32, #tpu.memory_space<vmem_shared>>
      tpu.wait_dma2 semaphore(%run_scoped3A : memref<!tpu.dma_semaphore, #tpu.memory_space<semaphore_mem>>) src(%arg11 : memref<128x64xf32, #tpu.memory_space<vmem>>) dst(%dma_wait3A_114 : memref<128x64xf32, #tpu.memory_space<vmem_shared>>)
      tpu.yield
    }) : () -> ()
    %add3A_50 = arith.constant 128 : i32
    %add3A_51 = arith.addi %mul3A_47, %add3A_50 : i32
    "tpu.region"() ({
      %run_scoped3A = tpu.sem_alloc : memref<!tpu.dma_semaphore, #tpu.memory_space<semaphore_mem>>
      %dma_start3A_107 = arith.constant 0 : i32
      %dma_start3A_108 = tpu.memref_slice %arg6[%add3A_51, %dma_start3A_107] : memref<10240x64xf32, #tpu.memory_space<vmem_shared>> -> memref<128x64xf32, #tpu.memory_space<vmem_shared>>
      %dma_start3A_109 = arith.constant 0 : i32
      %dma_start3A_110 = tpu.memref_slice %arg6[%add3A_51, %dma_start3A_109] : memref<10240x64xf32, #tpu.memory_space<vmem_shared>> -> memref<128x64xf32, #tpu.memory_space<vmem_shared>>
      tpu.enqueue_dma source(%arg11 : memref<128x64xf32, #tpu.memory_space<vmem>>) target(%dma_start3A_110 : memref<128x64xf32, #tpu.memory_space<vmem_shared>>) target_semaphore(%run_scoped3A : memref<!tpu.dma_semaphore, #tpu.memory_space<semaphore_mem>>)
      %dma_wait3A_111 = arith.constant 0 : i32
      %dma_wait3A_112 = tpu.memref_slice %arg6[%add3A_51, %dma_wait3A_111] : memref<10240x64xf32, #tpu.memory_space<vmem_shared>> -> memref<128x64xf32, #tpu.memory_space<vmem_shared>>
      %dma_wait3A_113 = arith.constant 0 : i32
      %dma_wait3A_114 = tpu.memref_slice %arg6[%add3A_51, %dma_wait3A_113] : memref<10240x64xf32, #tpu.memory_space<vmem_shared>> -> memref<128x64xf32, #tpu.memory_space<vmem_shared>>
      tpu.wait_dma2 semaphore(%run_scoped3A : memref<!tpu.dma_semaphore, #tpu.memory_space<semaphore_mem>>) src(%arg11 : memref<128x64xf32, #tpu.memory_space<vmem>>) dst(%dma_wait3A_114 : memref<128x64xf32, #tpu.memory_space<vmem_shared>>)
      tpu.yield
    }) : () -> ()
    %add3A_52 = arith.constant 256 : i32
    %add3A_53 = arith.addi %mul3A_47, %add3A_52 : i32
    "tpu.region"() ({
      %run_scoped3A = tpu.sem_alloc : memref<!tpu.dma_semaphore, #tpu.memory_space<semaphore_mem>>
      %dma_start3A_107 = arith.constant 0 : i32
      %dma_start3A_108 = tpu.memref_slice %arg6[%add3A_53, %dma_start3A_107] : memref<10240x64xf32, #tpu.memory_space<vmem_shared>> -> memref<128x64xf32, #tpu.memory_space<vmem_shared>>
      %dma_start3A_109 = arith.constant 0 : i32
      %dma_start3A_110 = tpu.memref_slice %arg6[%add3A_53, %dma_start3A_109] : memref<10240x64xf32, #tpu.memory_space<vmem_shared>> -> memref<128x64xf32, #tpu.memory_space<vmem_shared>>
      tpu.enqueue_dma source(%arg11 : memref<128x64xf32, #tpu.memory_space<vmem>>) target(%dma_start3A_110 : memref<128x64xf32, #tpu.memory_space<vmem_shared>>) target_semaphore(%run_scoped3A : memref<!tpu.dma_semaphore, #tpu.memory_space<semaphore_mem>>)
      %dma_wait3A_111 = arith.constant 0 : i32
      %dma_wait3A_112 = tpu.memref_slice %arg6[%add3A_53, %dma_wait3A_111] : memref<10240x64xf32, #tpu.memory_space<vmem_shared>> -> memref<128x64xf32, #tpu.memory_space<vmem_shared>>
      %dma_wait3A_113 = arith.constant 0 : i32
      %dma_wait3A_114 = tpu.memref_slice %arg6[%add3A_53, %dma_wait3A_113] : memref<10240x64xf32, #tpu.memory_space<vmem_shared>> -> memref<128x64xf32, #tpu.memory_space<vmem_shared>>
      tpu.wait_dma2 semaphore(%run_scoped3A : memref<!tpu.dma_semaphore, #tpu.memory_space<semaphore_mem>>) src(%arg11 : memref<128x64xf32, #tpu.memory_space<vmem>>) dst(%dma_wait3A_114 : memref<128x64xf32, #tpu.memory_space<vmem_shared>>)
      tpu.yield
    }) : () -> ()
    %add3A_54 = arith.constant 384 : i32
    %add3A_55 = arith.addi %mul3A_47, %add3A_54 : i32
    "tpu.region"() ({
      %run_scoped3A = tpu.sem_alloc : memref<!tpu.dma_semaphore, #tpu.memory_space<semaphore_mem>>
      %dma_start3A_107 = arith.constant 0 : i32
      %dma_start3A_108 = tpu.memref_slice %arg6[%add3A_55, %dma_start3A_107] : memref<10240x64xf32, #tpu.memory_space<vmem_shared>> -> memref<128x64xf32, #tpu.memory_space<vmem_shared>>
      %dma_start3A_109 = arith.constant 0 : i32
      %dma_start3A_110 = tpu.memref_slice %arg6[%add3A_55, %dma_start3A_109] : memref<10240x64xf32, #tpu.memory_space<vmem_shared>> -> memref<128x64xf32, #tpu.memory_space<vmem_shared>>
      tpu.enqueue_dma source(%arg11 : memref<128x64xf32, #tpu.memory_space<vmem>>) target(%dma_start3A_110 : memref<128x64xf32, #tpu.memory_space<vmem_shared>>) target_semaphore(%run_scoped3A : memref<!tpu.dma_semaphore, #tpu.memory_space<semaphore_mem>>)
      %dma_wait3A_111 = arith.constant 0 : i32
      %dma_wait3A_112 = tpu.memref_slice %arg6[%add3A_55, %dma_wait3A_111] : memref<10240x64xf32, #tpu.memory_space<vmem_shared>> -> memref<128x64xf32, #tpu.memory_space<vmem_shared>>
      %dma_wait3A_113 = arith.constant 0 : i32
      %dma_wait3A_114 = tpu.memref_slice %arg6[%add3A_55, %dma_wait3A_113] : memref<10240x64xf32, #tpu.memory_space<vmem_shared>> -> memref<128x64xf32, #tpu.memory_space<vmem_shared>>
      tpu.wait_dma2 semaphore(%run_scoped3A : memref<!tpu.dma_semaphore, #tpu.memory_space<semaphore_mem>>) src(%arg11 : memref<128x64xf32, #tpu.memory_space<vmem>>) dst(%dma_wait3A_114 : memref<128x64xf32, #tpu.memory_space<vmem_shared>>)
      tpu.yield
    }) : () -> ()
    %add3A_56 = arith.constant 512 : i32
    %add3A_57 = arith.addi %mul3A_47, %add3A_56 : i32
    "tpu.region"() ({
      %run_scoped3A = tpu.sem_alloc : memref<!tpu.dma_semaphore, #tpu.memory_space<semaphore_mem>>
      %dma_start3A_107 = arith.constant 0 : i32
      %dma_start3A_108 = tpu.memref_slice %arg6[%add3A_57, %dma_start3A_107] : memref<10240x64xf32, #tpu.memory_space<vmem_shared>> -> memref<128x64xf32, #tpu.memory_space<vmem_shared>>
      %dma_start3A_109 = arith.constant 0 : i32
      %dma_start3A_110 = tpu.memref_slice %arg6[%add3A_57, %dma_start3A_109] : memref<10240x64xf32, #tpu.memory_space<vmem_shared>> -> memref<128x64xf32, #tpu.memory_space<vmem_shared>>
      tpu.enqueue_dma source(%arg11 : memref<128x64xf32, #tpu.memory_space<vmem>>) target(%dma_start3A_110 : memref<128x64xf32, #tpu.memory_space<vmem_shared>>) target_semaphore(%run_scoped3A : memref<!tpu.dma_semaphore, #tpu.memory_space<semaphore_mem>>)
      %dma_wait3A_111 = arith.constant 0 : i32
      %dma_wait3A_112 = tpu.memref_slice %arg6[%add3A_57, %dma_wait3A_111] : memref<10240x64xf32, #tpu.memory_space<vmem_shared>> -> memref<128x64xf32, #tpu.memory_space<vmem_shared>>
      %dma_wait3A_113 = arith.constant 0 : i32
      %dma_wait3A_114 = tpu.memref_slice %arg6[%add3A_57, %dma_wait3A_113] : memref<10240x64xf32, #tpu.memory_space<vmem_shared>> -> memref<128x64xf32, #tpu.memory_space<vmem_shared>>
      tpu.wait_dma2 semaphore(%run_scoped3A : memref<!tpu.dma_semaphore, #tpu.memory_space<semaphore_mem>>) src(%arg11 : memref<128x64xf32, #tpu.memory_space<vmem>>) dst(%dma_wait3A_114 : memref<128x64xf32, #tpu.memory_space<vmem_shared>>)
      tpu.yield
    }) : () -> ()
    %add3A_58 = arith.constant 0 : i32
    %add3A_59 = arith.addi %add3A, %add3A_58 : i32
    %mul3A_60 = arith.constant 128 : i32
    %mul3A_61 = arith.muli %add3A_59, %mul3A_60 : i32
    %multiple_of3A_62 = tpu.assume_multiple %mul3A_61, 128 : i32
    %dma_wait3A = tpu.memref_slice %arg3[%multiple_of3A_62] : memref<320000xi32, #tpu.memory_space<hbm>> -> memref<128xi32, #tpu.memory_space<hbm>>
    %dma_wait3A_63 = tpu.memref_slice %arg3[%multiple_of3A_62] : memref<320000xi32, #tpu.memory_space<hbm>> -> memref<128xi32, #tpu.memory_space<hbm>>
    tpu.wait_dma2 semaphore(%arg15 : memref<!tpu.dma_semaphore, #tpu.memory_space<semaphore_mem>>) src(%dma_wait3A_63 : memref<128xi32, #tpu.memory_space<hbm>>) dst(%arg7 : memref<128xi32, #tpu.memory_space<vmem>>)
    %dma_wait3A_64 = tpu.memref_slice %arg4[%multiple_of3A_62] : memref<320000xi32, #tpu.memory_space<hbm>> -> memref<128xi32, #tpu.memory_space<hbm>>
    %dma_wait3A_65 = tpu.memref_slice %arg4[%multiple_of3A_62] : memref<320000xi32, #tpu.memory_space<hbm>> -> memref<128xi32, #tpu.memory_space<hbm>>
    tpu.wait_dma2 semaphore(%arg15 : memref<!tpu.dma_semaphore, #tpu.memory_space<semaphore_mem>>) src(%dma_wait3A_65 : memref<128xi32, #tpu.memory_space<hbm>>) dst(%arg9 : memref<128xi32, #tpu.memory_space<vmem>>)
    %dma_start3A_66 = arith.constant 0 : i32
    %dma_start3A_67 = arith.constant 0 : i32
    %dma_start3A_68 = tpu.memref_slice %arg2[%dma_start3A_66, %dma_start3A_67] : memref<10000x64xf32, #tpu.memory_space<hbm>> -> memref<10000x64xf32, #tpu.memory_space<hbm>>
    tpu.enqueue_indirect_dma source(%dma_start3A_68 : memref<10000x64xf32, #tpu.memory_space<hbm>>) target(%arg11 : memref<128x64xf32, #tpu.memory_space<vmem>>) offsets(%arg7 : memref<128xi32, #tpu.memory_space<vmem>>) semaphore(%arg13 : memref<!tpu.dma_semaphore, #tpu.memory_space<semaphore_mem>>)
    %barrier3A = arith.constant 0 : index
    tpu.barrier barrier_id(%barrier3A)
    %add3A_69 = arith.constant 1 : i32
    %add3A_70 = arith.addi %select_n3A, %add3A_69 : i32
    %jit3A_71 = arith.constant 2 : i32
    %div3A_72 = arith.divsi %add3A_70, %jit3A_71 : i32
    %sign3A_73 = arith.constant 0 : i32
    %sign3A_74 = arith.cmpi sgt, %add3A_70, %sign3A_73 : i32
    %sign3A_75 = arith.extui %sign3A_74 : i1 to i32
    %sign3A_76 = arith.constant 0 : i32
    %sign3A_77 = arith.cmpi slt, %add3A_70, %sign3A_76 : i32
    %sign3A_78 = arith.extui %sign3A_77 : i1 to i32
    %sign3A_79 = arith.subi %sign3A_75, %sign3A_78 : i32
    %sign3A_80 = arith.constant 0 : i32
    %sign3A_81 = arith.cmpi sgt, %jit3A_71, %sign3A_80 : i32
    %sign3A_82 = arith.extui %sign3A_81 : i1 to i32
    %sign3A_83 = arith.constant 0 : i32
    %sign3A_84 = arith.cmpi slt, %jit3A_71, %sign3A_83 : i32
    %sign3A_85 = arith.extui %sign3A_84 : i1 to i32
    %sign3A_86 = arith.subi %sign3A_82, %sign3A_85 : i32
    %ne3A_87 = arith.cmpi ne, %sign3A_79, %sign3A_86 : i32
    %rem3A_88 = arith.remsi %add3A_70, %jit3A_71 : i32
    %ne3A_89 = arith.constant 0 : i32
    %ne3A_90 = arith.cmpi ne, %rem3A_88, %ne3A_89 : i32
    %and3A_91 = arith.andi %ne3A_87, %ne3A_90 : i1
    %sub3A_92 = arith.constant 1 : i32
    %sub3A_93 = arith.subi %div3A_72, %sub3A_92 : i32
    %select_n3A_94 = arith.select %and3A_91, %sub3A_93, %div3A_72 : i32
    %while3A = arith.constant 0 : i32
    %while3A_95 = arith.constant 0 : i32
    %while3A_96 = arith.subi %select_n3A_94, %while3A : i32
    %while3A_97 = arith.addi %while3A, %while3A_96 : i32
    %while3A_98 = arith.constant 1 : i32
    %while3A_99 = arith.divsi %while3A_96, %while3A_98 : i32
    %while3A_100 = arith.muli %while3A_99, %while3A_98 : i32
    %while3A_101 = arith.addi %while3A, %while3A_100 : i32
    %while3A_102 = arith.constant 1 : i32
    %while3A_103 = scf.for %while3A_107 = %while3A to %while3A_101 step %while3A_102 iter_args(%while3A_108 = %while3A_95) -> (i32)  : i32 {
      %mul3A_109 = arith.constant 2 : i32
      %mul3A_110 = arith.muli %mul3A_109, %while3A_107 : i32
      %add3A_111 = arith.constant 1 : i32
      %add3A_112 = arith.addi %mul3A_110, %add3A_111 : i32
      %add3A_113 = arith.constant 2 : i32
      %add3A_114 = arith.addi %mul3A_110, %add3A_113 : i32
      %add3A_115 = arith.constant 3 : i32
      %add3A_116 = arith.addi %mul3A_110, %add3A_115 : i32
      %lt3A = arith.cmpi slt, %add3A_112, %select_n3A : i32
      %convert_element_type3A = arith.extui %lt3A : i1 to i32
      %cond3A = arith.constant 0 : i32
      %cond3A_117 = arith.cmpi ne, %convert_element_type3A, %cond3A : i32
      scf.if %cond3A_117 {
        %mul3A_130 = arith.constant 32 : i32
        %mul3A_131 = arith.muli %add3A_112, %mul3A_130 : i32
        %add3A_132 = arith.addi %add3A, %mul3A_131 : i32
        %mul3A_133 = arith.constant 128 : i32
        %mul3A_134 = arith.muli %add3A_132, %mul3A_133 : i32
        %multiple_of3A_135 = tpu.assume_multiple %mul3A_134, 128 : i32
        %dma_wait3A_136 = tpu.memref_slice %arg3[%multiple_of3A_135] : memref<320000xi32, #tpu.memory_space<hbm>> -> memref<128xi32, #tpu.memory_space<hbm>>
        %dma_wait3A_137 = tpu.memref_slice %arg3[%multiple_of3A_135] : memref<320000xi32, #tpu.memory_space<hbm>> -> memref<128xi32, #tpu.memory_space<hbm>>
        tpu.wait_dma2 semaphore(%arg16 : memref<!tpu.dma_semaphore, #tpu.memory_space<semaphore_mem>>) src(%dma_wait3A_137 : memref<128xi32, #tpu.memory_space<hbm>>) dst(%arg8 : memref<128xi32, #tpu.memory_space<vmem>>)
        %dma_wait3A_138 = tpu.memref_slice %arg4[%multiple_of3A_135] : memref<320000xi32, #tpu.memory_space<hbm>> -> memref<128xi32, #tpu.memory_space<hbm>>
        %dma_wait3A_139 = tpu.memref_slice %arg4[%multiple_of3A_135] : memref<320000xi32, #tpu.memory_space<hbm>> -> memref<128xi32, #tpu.memory_space<hbm>>
        tpu.wait_dma2 semaphore(%arg16 : memref<!tpu.dma_semaphore, #tpu.memory_space<semaphore_mem>>) src(%dma_wait3A_139 : memref<128xi32, #tpu.memory_space<hbm>>) dst(%arg10 : memref<128xi32, #tpu.memory_space<vmem>>)
        %dma_start3A_140 = arith.constant 0 : i32
        %dma_start3A_141 = arith.constant 0 : i32
        %dma_start3A_142 = tpu.memref_slice %arg2[%dma_start3A_140, %dma_start3A_141] : memref<10000x64xf32, #tpu.memory_space<hbm>> -> memref<10000x64xf32, #tpu.memory_space<hbm>>
        tpu.enqueue_indirect_dma source(%dma_start3A_142 : memref<10000x64xf32, #tpu.memory_space<hbm>>) target(%arg12 : memref<128x64xf32, #tpu.memory_space<vmem>>) offsets(%arg8 : memref<128xi32, #tpu.memory_space<vmem>>) semaphore(%arg14 : memref<!tpu.dma_semaphore, #tpu.memory_space<semaphore_mem>>)
      } else {
      }
      %dma_wait3A_118 = arith.constant 0 : i32
      %dma_wait3A_119 = arith.constant 0 : i32
      %dma_wait3A_120 = tpu.memref_slice %arg2[%dma_wait3A_118, %dma_wait3A_119] : memref<10000x64xf32, #tpu.memory_space<hbm>> -> memref<10000x64xf32, #tpu.memory_space<hbm>>
      tpu.wait_indirect_dma semaphore(%arg13 : memref<!tpu.dma_semaphore, #tpu.memory_space<semaphore_mem>>) src(%dma_wait3A_120 : memref<10000x64xf32, #tpu.memory_space<hbm>>) dst(%arg11 : memref<128x64xf32, #tpu.memory_space<vmem>>)
      "tpu.region"() ({
        %run_scoped3A = tpu.sem_alloc : memref<!tpu.dma_semaphore, #tpu.memory_space<semaphore_mem>>
        %dma_start3A_130 = arith.constant 0 : i32
        %dma_start3A_131 = arith.constant 0 : i32
        %dma_start3A_132 = tpu.memref_slice %arg6[%dma_start3A_130, %dma_start3A_131] : memref<10240x64xf32, #tpu.memory_space<vmem_shared>> -> memref<10240x64xf32, #tpu.memory_space<vmem_shared>>
        tpu.enqueue_indirect_dma source(%arg11 : memref<128x64xf32, #tpu.memory_space<vmem>>) target(%dma_start3A_132 : memref<10240x64xf32, #tpu.memory_space<vmem_shared>>) offsets(%arg9 : memref<128xi32, #tpu.memory_space<vmem>>) semaphore(%run_scoped3A : memref<!tpu.dma_semaphore, #tpu.memory_space<semaphore_mem>>) {add = true}
        %dma_wait3A_133 = arith.constant 0 : i32
        %dma_wait3A_134 = arith.constant 0 : i32
        %dma_wait3A_135 = tpu.memref_slice %arg6[%dma_wait3A_133, %dma_wait3A_134] : memref<10240x64xf32, #tpu.memory_space<vmem_shared>> -> memref<10240x64xf32, #tpu.memory_space<vmem_shared>>
        tpu.wait_indirect_dma semaphore(%run_scoped3A : memref<!tpu.dma_semaphore, #tpu.memory_space<semaphore_mem>>) src(%arg11 : memref<128x64xf32, #tpu.memory_space<vmem>>) dst(%dma_wait3A_135 : memref<10240x64xf32, #tpu.memory_space<vmem_shared>>)
        tpu.yield
      }) : () -> ()
      %lt3A_121 = arith.cmpi slt, %add3A_114, %select_n3A : i32
      %convert_element_type3A_122 = arith.extui %lt3A_121 : i1 to i32
      %cond3A_123 = arith.constant 0 : i32
      %cond3A_124 = arith.cmpi ne, %convert_element_type3A_122, %cond3A_123 : i32
      scf.if %cond3A_124 {
        %mul3A_130 = arith.constant 32 : i32
        %mul3A_131 = arith.muli %add3A_114, %mul3A_130 : i32
        %add3A_132 = arith.addi %add3A, %mul3A_131 : i32
        %mul3A_133 = arith.constant 128 : i32
        %mul3A_134 = arith.muli %add3A_132, %mul3A_133 : i32
        %multiple_of3A_135 = tpu.assume_multiple %mul3A_134, 128 : i32
        %dma_start3A_136 = tpu.memref_slice %arg3[%multiple_of3A_135] : memref<320000xi32, #tpu.memory_space<hbm>> -> memref<128xi32, #tpu.memory_space<hbm>>
        %dma_start3A_137 = tpu.memref_slice %arg3[%multiple_of3A_135] : memref<320000xi32, #tpu.memory_space<hbm>> -> memref<128xi32, #tpu.memory_space<hbm>>
        tpu.enqueue_dma source(%dma_start3A_137 : memref<128xi32, #tpu.memory_space<hbm>>) target(%arg7 : memref<128xi32, #tpu.memory_space<vmem>>) target_semaphore(%arg15 : memref<!tpu.dma_semaphore, #tpu.memory_space<semaphore_mem>>)
        %dma_start3A_138 = tpu.memref_slice %arg4[%multiple_of3A_135] : memref<320000xi32, #tpu.memory_space<hbm>> -> memref<128xi32, #tpu.memory_space<hbm>>
        %dma_start3A_139 = tpu.memref_slice %arg4[%multiple_of3A_135] : memref<320000xi32, #tpu.memory_space<hbm>> -> memref<128xi32, #tpu.memory_space<hbm>>
        tpu.enqueue_dma source(%dma_start3A_139 : memref<128xi32, #tpu.memory_space<hbm>>) target(%arg9 : memref<128xi32, #tpu.memory_space<vmem>>) target_semaphore(%arg15 : memref<!tpu.dma_semaphore, #tpu.memory_space<semaphore_mem>>)
      } else {
      }
      %lt3A_125 = arith.cmpi slt, %add3A_112, %select_n3A : i32
      %convert_element_type3A_126 = arith.extui %lt3A_125 : i1 to i32
      %cond3A_127 = arith.constant 0 : i32
      %cond3A_128 = arith.cmpi ne, %convert_element_type3A_126, %cond3A_127 : i32
      scf.if %cond3A_128 {
        %lt3A_130 = arith.cmpi slt, %add3A_114, %select_n3A : i32
        %convert_element_type3A_131 = arith.extui %lt3A_130 : i1 to i32
        %cond3A_132 = arith.constant 0 : i32
        %cond3A_133 = arith.cmpi ne, %convert_element_type3A_131, %cond3A_132 : i32
        scf.if %cond3A_133 {
          %mul3A_141 = arith.constant 32 : i32
          %mul3A_142 = arith.muli %add3A_114, %mul3A_141 : i32
          %add3A_143 = arith.addi %add3A, %mul3A_142 : i32
          %mul3A_144 = arith.constant 128 : i32
          %mul3A_145 = arith.muli %add3A_143, %mul3A_144 : i32
          %multiple_of3A_146 = tpu.assume_multiple %mul3A_145, 128 : i32
          %dma_wait3A_147 = tpu.memref_slice %arg3[%multiple_of3A_146] : memref<320000xi32, #tpu.memory_space<hbm>> -> memref<128xi32, #tpu.memory_space<hbm>>
          %dma_wait3A_148 = tpu.memref_slice %arg3[%multiple_of3A_146] : memref<320000xi32, #tpu.memory_space<hbm>> -> memref<128xi32, #tpu.memory_space<hbm>>
          tpu.wait_dma2 semaphore(%arg15 : memref<!tpu.dma_semaphore, #tpu.memory_space<semaphore_mem>>) src(%dma_wait3A_148 : memref<128xi32, #tpu.memory_space<hbm>>) dst(%arg7 : memref<128xi32, #tpu.memory_space<vmem>>)
          %dma_wait3A_149 = tpu.memref_slice %arg4[%multiple_of3A_146] : memref<320000xi32, #tpu.memory_space<hbm>> -> memref<128xi32, #tpu.memory_space<hbm>>
          %dma_wait3A_150 = tpu.memref_slice %arg4[%multiple_of3A_146] : memref<320000xi32, #tpu.memory_space<hbm>> -> memref<128xi32, #tpu.memory_space<hbm>>
          tpu.wait_dma2 semaphore(%arg15 : memref<!tpu.dma_semaphore, #tpu.memory_space<semaphore_mem>>) src(%dma_wait3A_150 : memref<128xi32, #tpu.memory_space<hbm>>) dst(%arg9 : memref<128xi32, #tpu.memory_space<vmem>>)
          %dma_start3A_151 = arith.constant 0 : i32
          %dma_start3A_152 = arith.constant 0 : i32
          %dma_start3A_153 = tpu.memref_slice %arg2[%dma_start3A_151, %dma_start3A_152] : memref<10000x64xf32, #tpu.memory_space<hbm>> -> memref<10000x64xf32, #tpu.memory_space<hbm>>
          tpu.enqueue_indirect_dma source(%dma_start3A_153 : memref<10000x64xf32, #tpu.memory_space<hbm>>) target(%arg11 : memref<128x64xf32, #tpu.memory_space<vmem>>) offsets(%arg7 : memref<128xi32, #tpu.memory_space<vmem>>) semaphore(%arg13 : memref<!tpu.dma_semaphore, #tpu.memory_space<semaphore_mem>>)
        } else {
        }
        %dma_wait3A_134 = arith.constant 0 : i32
        %dma_wait3A_135 = arith.constant 0 : i32
        %dma_wait3A_136 = tpu.memref_slice %arg2[%dma_wait3A_134, %dma_wait3A_135] : memref<10000x64xf32, #tpu.memory_space<hbm>> -> memref<10000x64xf32, #tpu.memory_space<hbm>>
        tpu.wait_indirect_dma semaphore(%arg14 : memref<!tpu.dma_semaphore, #tpu.memory_space<semaphore_mem>>) src(%dma_wait3A_136 : memref<10000x64xf32, #tpu.memory_space<hbm>>) dst(%arg12 : memref<128x64xf32, #tpu.memory_space<vmem>>)
        "tpu.region"() ({
          %run_scoped3A = tpu.sem_alloc : memref<!tpu.dma_semaphore, #tpu.memory_space<semaphore_mem>>
          %dma_start3A_141 = arith.constant 0 : i32
          %dma_start3A_142 = arith.constant 0 : i32
          %dma_start3A_143 = tpu.memref_slice %arg6[%dma_start3A_141, %dma_start3A_142] : memref<10240x64xf32, #tpu.memory_space<vmem_shared>> -> memref<10240x64xf32, #tpu.memory_space<vmem_shared>>
          tpu.enqueue_indirect_dma source(%arg12 : memref<128x64xf32, #tpu.memory_space<vmem>>) target(%dma_start3A_143 : memref<10240x64xf32, #tpu.memory_space<vmem_shared>>) offsets(%arg10 : memref<128xi32, #tpu.memory_space<vmem>>) semaphore(%run_scoped3A : memref<!tpu.dma_semaphore, #tpu.memory_space<semaphore_mem>>) {add = true}
          %dma_wait3A_144 = arith.constant 0 : i32
          %dma_wait3A_145 = arith.constant 0 : i32
          %dma_wait3A_146 = tpu.memref_slice %arg6[%dma_wait3A_144, %dma_wait3A_145] : memref<10240x64xf32, #tpu.memory_space<vmem_shared>> -> memref<10240x64xf32, #tpu.memory_space<vmem_shared>>
          tpu.wait_indirect_dma semaphore(%run_scoped3A : memref<!tpu.dma_semaphore, #tpu.memory_space<semaphore_mem>>) src(%arg12 : memref<128x64xf32, #tpu.memory_space<vmem>>) dst(%dma_wait3A_146 : memref<10240x64xf32, #tpu.memory_space<vmem_shared>>)
          tpu.yield
        }) : () -> ()
        %lt3A_137 = arith.cmpi slt, %add3A_116, %select_n3A : i32
        %convert_element_type3A_138 = arith.extui %lt3A_137 : i1 to i32
        %cond3A_139 = arith.constant 0 : i32
        %cond3A_140 = arith.cmpi ne, %convert_element_type3A_138, %cond3A_139 : i32
        scf.if %cond3A_140 {
          %mul3A_141 = arith.constant 32 : i32
          %mul3A_142 = arith.muli %add3A_116, %mul3A_141 : i32
          %add3A_143 = arith.addi %add3A, %mul3A_142 : i32
          %mul3A_144 = arith.constant 128 : i32
          %mul3A_145 = arith.muli %add3A_143, %mul3A_144 : i32
          %multiple_of3A_146 = tpu.assume_multiple %mul3A_145, 128 : i32
          %dma_start3A_147 = tpu.memref_slice %arg3[%multiple_of3A_146] : memref<320000xi32, #tpu.memory_space<hbm>> -> memref<128xi32, #tpu.memory_space<hbm>>
          %dma_start3A_148 = tpu.memref_slice %arg3[%multiple_of3A_146] : memref<320000xi32, #tpu.memory_space<hbm>> -> memref<128xi32, #tpu.memory_space<hbm>>
          tpu.enqueue_dma source(%dma_start3A_148 : memref<128xi32, #tpu.memory_space<hbm>>) target(%arg8 : memref<128xi32, #tpu.memory_space<vmem>>) target_semaphore(%arg16 : memref<!tpu.dma_semaphore, #tpu.memory_space<semaphore_mem>>)
          %dma_start3A_149 = tpu.memref_slice %arg4[%multiple_of3A_146] : memref<320000xi32, #tpu.memory_space<hbm>> -> memref<128xi32, #tpu.memory_space<hbm>>
          %dma_start3A_150 = tpu.memref_slice %arg4[%multiple_of3A_146] : memref<320000xi32, #tpu.memory_space<hbm>> -> memref<128xi32, #tpu.memory_space<hbm>>
          tpu.enqueue_dma source(%dma_start3A_150 : memref<128xi32, #tpu.memory_space<hbm>>) target(%arg10 : memref<128xi32, #tpu.memory_space<vmem>>) target_semaphore(%arg16 : memref<!tpu.dma_semaphore, #tpu.memory_space<semaphore_mem>>)
        } else {
        }
      } else {
      }
      %while3A_129 = arith.constant 0 : i32
      scf.yield %while3A_129 : i32
    }
    %while3A_104 = arith.constant 1 : i32
    %while3A_105 = scf.for %while3A_107 = %while3A_101 to %while3A_97 step %while3A_104 iter_args(%while3A_108 = %while3A_103) -> (i32)  : i32 {
      %mul3A_109 = arith.constant 2 : i32
      %mul3A_110 = arith.muli %mul3A_109, %while3A_107 : i32
      %add3A_111 = arith.constant 1 : i32
      %add3A_112 = arith.addi %mul3A_110, %add3A_111 : i32
      %add3A_113 = arith.constant 2 : i32
      %add3A_114 = arith.addi %mul3A_110, %add3A_113 : i32
      %add3A_115 = arith.constant 3 : i32
      %add3A_116 = arith.addi %mul3A_110, %add3A_115 : i32
      %lt3A = arith.cmpi slt, %add3A_112, %select_n3A : i32
      %convert_element_type3A = arith.extui %lt3A : i1 to i32
      %cond3A = arith.constant 0 : i32
      %cond3A_117 = arith.cmpi ne, %convert_element_type3A, %cond3A : i32
      scf.if %cond3A_117 {
        %mul3A_130 = arith.constant 32 : i32
        %mul3A_131 = arith.muli %add3A_112, %mul3A_130 : i32
        %add3A_132 = arith.addi %add3A, %mul3A_131 : i32
        %mul3A_133 = arith.constant 128 : i32
        %mul3A_134 = arith.muli %add3A_132, %mul3A_133 : i32
        %multiple_of3A_135 = tpu.assume_multiple %mul3A_134, 128 : i32
        %dma_wait3A_136 = tpu.memref_slice %arg3[%multiple_of3A_135] : memref<320000xi32, #tpu.memory_space<hbm>> -> memref<128xi32, #tpu.memory_space<hbm>>
        %dma_wait3A_137 = tpu.memref_slice %arg3[%multiple_of3A_135] : memref<320000xi32, #tpu.memory_space<hbm>> -> memref<128xi32, #tpu.memory_space<hbm>>
        tpu.wait_dma2 semaphore(%arg16 : memref<!tpu.dma_semaphore, #tpu.memory_space<semaphore_mem>>) src(%dma_wait3A_137 : memref<128xi32, #tpu.memory_space<hbm>>) dst(%arg8 : memref<128xi32, #tpu.memory_space<vmem>>)
        %dma_wait3A_138 = tpu.memref_slice %arg4[%multiple_of3A_135] : memref<320000xi32, #tpu.memory_space<hbm>> -> memref<128xi32, #tpu.memory_space<hbm>>
        %dma_wait3A_139 = tpu.memref_slice %arg4[%multiple_of3A_135] : memref<320000xi32, #tpu.memory_space<hbm>> -> memref<128xi32, #tpu.memory_space<hbm>>
        tpu.wait_dma2 semaphore(%arg16 : memref<!tpu.dma_semaphore, #tpu.memory_space<semaphore_mem>>) src(%dma_wait3A_139 : memref<128xi32, #tpu.memory_space<hbm>>) dst(%arg10 : memref<128xi32, #tpu.memory_space<vmem>>)
        %dma_start3A_140 = arith.constant 0 : i32
        %dma_start3A_141 = arith.constant 0 : i32
        %dma_start3A_142 = tpu.memref_slice %arg2[%dma_start3A_140, %dma_start3A_141] : memref<10000x64xf32, #tpu.memory_space<hbm>> -> memref<10000x64xf32, #tpu.memory_space<hbm>>
        tpu.enqueue_indirect_dma source(%dma_start3A_142 : memref<10000x64xf32, #tpu.memory_space<hbm>>) target(%arg12 : memref<128x64xf32, #tpu.memory_space<vmem>>) offsets(%arg8 : memref<128xi32, #tpu.memory_space<vmem>>) semaphore(%arg14 : memref<!tpu.dma_semaphore, #tpu.memory_space<semaphore_mem>>)
      } else {
      }
      %dma_wait3A_118 = arith.constant 0 : i32
      %dma_wait3A_119 = arith.constant 0 : i32
      %dma_wait3A_120 = tpu.memref_slice %arg2[%dma_wait3A_118, %dma_wait3A_119] : memref<10000x64xf32, #tpu.memory_space<hbm>> -> memref<10000x64xf32, #tpu.memory_space<hbm>>
      tpu.wait_indirect_dma semaphore(%arg13 : memref<!tpu.dma_semaphore, #tpu.memory_space<semaphore_mem>>) src(%dma_wait3A_120 : memref<10000x64xf32, #tpu.memory_space<hbm>>) dst(%arg11 : memref<128x64xf32, #tpu.memory_space<vmem>>)
      "tpu.region"() ({
        %run_scoped3A = tpu.sem_alloc : memref<!tpu.dma_semaphore, #tpu.memory_space<semaphore_mem>>
        %dma_start3A_130 = arith.constant 0 : i32
        %dma_start3A_131 = arith.constant 0 : i32
        %dma_start3A_132 = tpu.memref_slice %arg6[%dma_start3A_130, %dma_start3A_131] : memref<10240x64xf32, #tpu.memory_space<vmem_shared>> -> memref<10240x64xf32, #tpu.memory_space<vmem_shared>>
        tpu.enqueue_indirect_dma source(%arg11 : memref<128x64xf32, #tpu.memory_space<vmem>>) target(%dma_start3A_132 : memref<10240x64xf32, #tpu.memory_space<vmem_shared>>) offsets(%arg9 : memref<128xi32, #tpu.memory_space<vmem>>) semaphore(%run_scoped3A : memref<!tpu.dma_semaphore, #tpu.memory_space<semaphore_mem>>) {add = true}
        %dma_wait3A_133 = arith.constant 0 : i32
        %dma_wait3A_134 = arith.constant 0 : i32
        %dma_wait3A_135 = tpu.memref_slice %arg6[%dma_wait3A_133, %dma_wait3A_134] : memref<10240x64xf32, #tpu.memory_space<vmem_shared>> -> memref<10240x64xf32, #tpu.memory_space<vmem_shared>>
        tpu.wait_indirect_dma semaphore(%run_scoped3A : memref<!tpu.dma_semaphore, #tpu.memory_space<semaphore_mem>>) src(%arg11 : memref<128x64xf32, #tpu.memory_space<vmem>>) dst(%dma_wait3A_135 : memref<10240x64xf32, #tpu.memory_space<vmem_shared>>)
        tpu.yield
      }) : () -> ()
      %lt3A_121 = arith.cmpi slt, %add3A_114, %select_n3A : i32
      %convert_element_type3A_122 = arith.extui %lt3A_121 : i1 to i32
      %cond3A_123 = arith.constant 0 : i32
      %cond3A_124 = arith.cmpi ne, %convert_element_type3A_122, %cond3A_123 : i32
      scf.if %cond3A_124 {
        %mul3A_130 = arith.constant 32 : i32
        %mul3A_131 = arith.muli %add3A_114, %mul3A_130 : i32
        %add3A_132 = arith.addi %add3A, %mul3A_131 : i32
        %mul3A_133 = arith.constant 128 : i32
        %mul3A_134 = arith.muli %add3A_132, %mul3A_133 : i32
        %multiple_of3A_135 = tpu.assume_multiple %mul3A_134, 128 : i32
        %dma_start3A_136 = tpu.memref_slice %arg3[%multiple_of3A_135] : memref<320000xi32, #tpu.memory_space<hbm>> -> memref<128xi32, #tpu.memory_space<hbm>>
        %dma_start3A_137 = tpu.memref_slice %arg3[%multiple_of3A_135] : memref<320000xi32, #tpu.memory_space<hbm>> -> memref<128xi32, #tpu.memory_space<hbm>>
        tpu.enqueue_dma source(%dma_start3A_137 : memref<128xi32, #tpu.memory_space<hbm>>) target(%arg7 : memref<128xi32, #tpu.memory_space<vmem>>) target_semaphore(%arg15 : memref<!tpu.dma_semaphore, #tpu.memory_space<semaphore_mem>>)
        %dma_start3A_138 = tpu.memref_slice %arg4[%multiple_of3A_135] : memref<320000xi32, #tpu.memory_space<hbm>> -> memref<128xi32, #tpu.memory_space<hbm>>
        %dma_start3A_139 = tpu.memref_slice %arg4[%multiple_of3A_135] : memref<320000xi32, #tpu.memory_space<hbm>> -> memref<128xi32, #tpu.memory_space<hbm>>
        tpu.enqueue_dma source(%dma_start3A_139 : memref<128xi32, #tpu.memory_space<hbm>>) target(%arg9 : memref<128xi32, #tpu.memory_space<vmem>>) target_semaphore(%arg15 : memref<!tpu.dma_semaphore, #tpu.memory_space<semaphore_mem>>)
      } else {
      }
      %lt3A_125 = arith.cmpi slt, %add3A_112, %select_n3A : i32
      %convert_element_type3A_126 = arith.extui %lt3A_125 : i1 to i32
      %cond3A_127 = arith.constant 0 : i32
      %cond3A_128 = arith.cmpi ne, %convert_element_type3A_126, %cond3A_127 : i32
      scf.if %cond3A_128 {
        %lt3A_130 = arith.cmpi slt, %add3A_114, %select_n3A : i32
        %convert_element_type3A_131 = arith.extui %lt3A_130 : i1 to i32
        %cond3A_132 = arith.constant 0 : i32
        %cond3A_133 = arith.cmpi ne, %convert_element_type3A_131, %cond3A_132 : i32
        scf.if %cond3A_133 {
          %mul3A_141 = arith.constant 32 : i32
          %mul3A_142 = arith.muli %add3A_114, %mul3A_141 : i32
          %add3A_143 = arith.addi %add3A, %mul3A_142 : i32
          %mul3A_144 = arith.constant 128 : i32
          %mul3A_145 = arith.muli %add3A_143, %mul3A_144 : i32
          %multiple_of3A_146 = tpu.assume_multiple %mul3A_145, 128 : i32
          %dma_wait3A_147 = tpu.memref_slice %arg3[%multiple_of3A_146] : memref<320000xi32, #tpu.memory_space<hbm>> -> memref<128xi32, #tpu.memory_space<hbm>>
          %dma_wait3A_148 = tpu.memref_slice %arg3[%multiple_of3A_146] : memref<320000xi32, #tpu.memory_space<hbm>> -> memref<128xi32, #tpu.memory_space<hbm>>
          tpu.wait_dma2 semaphore(%arg15 : memref<!tpu.dma_semaphore, #tpu.memory_space<semaphore_mem>>) src(%dma_wait3A_148 : memref<128xi32, #tpu.memory_space<hbm>>) dst(%arg7 : memref<128xi32, #tpu.memory_space<vmem>>)
          %dma_wait3A_149 = tpu.memref_slice %arg4[%multiple_of3A_146] : memref<320000xi32, #tpu.memory_space<hbm>> -> memref<128xi32, #tpu.memory_space<hbm>>
          %dma_wait3A_150 = tpu.memref_slice %arg4[%multiple_of3A_146] : memref<320000xi32, #tpu.memory_space<hbm>> -> memref<128xi32, #tpu.memory_space<hbm>>
          tpu.wait_dma2 semaphore(%arg15 : memref<!tpu.dma_semaphore, #tpu.memory_space<semaphore_mem>>) src(%dma_wait3A_150 : memref<128xi32, #tpu.memory_space<hbm>>) dst(%arg9 : memref<128xi32, #tpu.memory_space<vmem>>)
          %dma_start3A_151 = arith.constant 0 : i32
          %dma_start3A_152 = arith.constant 0 : i32
          %dma_start3A_153 = tpu.memref_slice %arg2[%dma_start3A_151, %dma_start3A_152] : memref<10000x64xf32, #tpu.memory_space<hbm>> -> memref<10000x64xf32, #tpu.memory_space<hbm>>
          tpu.enqueue_indirect_dma source(%dma_start3A_153 : memref<10000x64xf32, #tpu.memory_space<hbm>>) target(%arg11 : memref<128x64xf32, #tpu.memory_space<vmem>>) offsets(%arg7 : memref<128xi32, #tpu.memory_space<vmem>>) semaphore(%arg13 : memref<!tpu.dma_semaphore, #tpu.memory_space<semaphore_mem>>)
        } else {
        }
        %dma_wait3A_134 = arith.constant 0 : i32
        %dma_wait3A_135 = arith.constant 0 : i32
        %dma_wait3A_136 = tpu.memref_slice %arg2[%dma_wait3A_134, %dma_wait3A_135] : memref<10000x64xf32, #tpu.memory_space<hbm>> -> memref<10000x64xf32, #tpu.memory_space<hbm>>
        tpu.wait_indirect_dma semaphore(%arg14 : memref<!tpu.dma_semaphore, #tpu.memory_space<semaphore_mem>>) src(%dma_wait3A_136 : memref<10000x64xf32, #tpu.memory_space<hbm>>) dst(%arg12 : memref<128x64xf32, #tpu.memory_space<vmem>>)
        "tpu.region"() ({
          %run_scoped3A = tpu.sem_alloc : memref<!tpu.dma_semaphore, #tpu.memory_space<semaphore_mem>>
          %dma_start3A_141 = arith.constant 0 : i32
          %dma_start3A_142 = arith.constant 0 : i32
          %dma_start3A_143 = tpu.memref_slice %arg6[%dma_start3A_141, %dma_start3A_142] : memref<10240x64xf32, #tpu.memory_space<vmem_shared>> -> memref<10240x64xf32, #tpu.memory_space<vmem_shared>>
          tpu.enqueue_indirect_dma source(%arg12 : memref<128x64xf32, #tpu.memory_space<vmem>>) target(%dma_start3A_143 : memref<10240x64xf32, #tpu.memory_space<vmem_shared>>) offsets(%arg10 : memref<128xi32, #tpu.memory_space<vmem>>) semaphore(%run_scoped3A : memref<!tpu.dma_semaphore, #tpu.memory_space<semaphore_mem>>) {add = true}
          %dma_wait3A_144 = arith.constant 0 : i32
          %dma_wait3A_145 = arith.constant 0 : i32
          %dma_wait3A_146 = tpu.memref_slice %arg6[%dma_wait3A_144, %dma_wait3A_145] : memref<10240x64xf32, #tpu.memory_space<vmem_shared>> -> memref<10240x64xf32, #tpu.memory_space<vmem_shared>>
          tpu.wait_indirect_dma semaphore(%run_scoped3A : memref<!tpu.dma_semaphore, #tpu.memory_space<semaphore_mem>>) src(%arg12 : memref<128x64xf32, #tpu.memory_space<vmem>>) dst(%dma_wait3A_146 : memref<10240x64xf32, #tpu.memory_space<vmem_shared>>)
          tpu.yield
        }) : () -> ()
        %lt3A_137 = arith.cmpi slt, %add3A_116, %select_n3A : i32
        %convert_element_type3A_138 = arith.extui %lt3A_137 : i1 to i32
        %cond3A_139 = arith.constant 0 : i32
        %cond3A_140 = arith.cmpi ne, %convert_element_type3A_138, %cond3A_139 : i32
        scf.if %cond3A_140 {
          %mul3A_141 = arith.constant 32 : i32
          %mul3A_142 = arith.muli %add3A_116, %mul3A_141 : i32
          %add3A_143 = arith.addi %add3A, %mul3A_142 : i32
          %mul3A_144 = arith.constant 128 : i32
          %mul3A_145 = arith.muli %add3A_143, %mul3A_144 : i32
          %multiple_of3A_146 = tpu.assume_multiple %mul3A_145, 128 : i32
          %dma_start3A_147 = tpu.memref_slice %arg3[%multiple_of3A_146] : memref<320000xi32, #tpu.memory_space<hbm>> -> memref<128xi32, #tpu.memory_space<hbm>>
          %dma_start3A_148 = tpu.memref_slice %arg3[%multiple_of3A_146] : memref<320000xi32, #tpu.memory_space<hbm>> -> memref<128xi32, #tpu.memory_space<hbm>>
          tpu.enqueue_dma source(%dma_start3A_148 : memref<128xi32, #tpu.memory_space<hbm>>) target(%arg8 : memref<128xi32, #tpu.memory_space<vmem>>) target_semaphore(%arg16 : memref<!tpu.dma_semaphore, #tpu.memory_space<semaphore_mem>>)
          %dma_start3A_149 = tpu.memref_slice %arg4[%multiple_of3A_146] : memref<320000xi32, #tpu.memory_space<hbm>> -> memref<128xi32, #tpu.memory_space<hbm>>
          %dma_start3A_150 = tpu.memref_slice %arg4[%multiple_of3A_146] : memref<320000xi32, #tpu.memory_space<hbm>> -> memref<128xi32, #tpu.memory_space<hbm>>
          tpu.enqueue_dma source(%dma_start3A_150 : memref<128xi32, #tpu.memory_space<hbm>>) target(%arg10 : memref<128xi32, #tpu.memory_space<vmem>>) target_semaphore(%arg16 : memref<!tpu.dma_semaphore, #tpu.memory_space<semaphore_mem>>)
        } else {
        }
      } else {
      }
      %while3A_129 = arith.constant 0 : i32
      scf.yield %while3A_129 : i32
    }
    %barrier3A_106 = arith.constant 0 : index
    tpu.barrier barrier_id(%barrier3A_106)
    "tpu.region"() ({
      %run_scoped3A = tpu.sem_alloc : memref<!tpu.dma_semaphore, #tpu.memory_space<semaphore_mem>>
      %dma_start3A_107 = arith.constant 0 : i32
      %dma_start3A_108 = tpu.memref_slice %arg5[%arg0, %mul3A_47, %dma_start3A_107] : memref<2x10240x64xf32, #tpu.memory_space<hbm>> -> memref<1x640x64xf32, #tpu.memory_space<hbm>>
      %dma_start3A_109 = tpu.memref_squeeze %dma_start3A_108 : memref<1x640x64xf32, #tpu.memory_space<hbm>> -> memref<640x64xf32, #tpu.memory_space<hbm>>
      %dma_start3A_110 = arith.constant 0 : i32
      %dma_start3A_111 = tpu.memref_slice %arg6[%mul3A_47, %dma_start3A_110] : memref<10240x64xf32, #tpu.memory_space<vmem_shared>> -> memref<640x64xf32, #tpu.memory_space<vmem_shared>>
      tpu.enqueue_dma source(%dma_start3A_111 : memref<640x64xf32, #tpu.memory_space<vmem_shared>>) target(%dma_start3A_109 : memref<640x64xf32, #tpu.memory_space<hbm>>) target_semaphore(%run_scoped3A : memref<!tpu.dma_semaphore, #tpu.memory_space<semaphore_mem>>)
      %dma_wait3A_112 = arith.constant 0 : i32
      %dma_wait3A_113 = tpu.memref_slice %arg5[%arg0, %mul3A_47, %dma_wait3A_112] : memref<2x10240x64xf32, #tpu.memory_space<hbm>> -> memref<1x640x64xf32, #tpu.memory_space<hbm>>
      %dma_wait3A_114 = tpu.memref_squeeze %dma_wait3A_113 : memref<1x640x64xf32, #tpu.memory_space<hbm>> -> memref<640x64xf32, #tpu.memory_space<hbm>>
      %dma_wait3A_115 = arith.constant 0 : i32
      %dma_wait3A_116 = tpu.memref_slice %arg6[%mul3A_47, %dma_wait3A_115] : memref<10240x64xf32, #tpu.memory_space<vmem_shared>> -> memref<640x64xf32, #tpu.memory_space<vmem_shared>>
      tpu.wait_dma2 semaphore(%run_scoped3A : memref<!tpu.dma_semaphore, #tpu.memory_space<semaphore_mem>>) src(%dma_wait3A_116 : memref<640x64xf32, #tpu.memory_space<vmem_shared>>) dst(%dma_wait3A_114 : memref<640x64xf32, #tpu.memory_space<hbm>>)
      tpu.yield
    }) : () -> ()
    return
  }
}

module attributes {stable_mosaic.version = 14 : i64} {
  func.func @_tc1_body(%arg0: i32, %arg1: memref<1000x128xf32, #tpu.memory_space<vmem>>, %arg2: memref<2x1000x128xf32, #tpu.memory_space<vmem>>, %arg3: memref<2x1000x16xf32, #tpu.memory_space<vmem>>, %arg4: memref<128x128xf32, #tpu.memory_space<vmem>>, %arg5: memref<1x128xf32, #tpu.memory_space<vmem>>, %arg6: memref<128x128xf32, #tpu.memory_space<vmem>>, %arg7: memref<128x64xf32, #tpu.memory_space<vmem>>, %arg8: memref<1000x128xf32, #tpu.memory_space<vmem>>, %arg9: memref<1000x64xf32, #tpu.memory_space<vmem>>) attributes {dimension_semantics = [#tpu.dimension_semantics<arbitrary>], iteration_bounds = array<i64: 10>, scalar_prefetch = 0 : i64, scratch_operands = 0 : i64, tpu.core_type = #tpu.core_type<tc>, window_params = [{transform_indices = @transform_0, window_bounds = array<i64: 1000, 128>}, {transform_indices = @transform_1, window_bounds = array<i64: 2, 1000, 128>}, {transform_indices = @transform_2, window_bounds = array<i64: 2, 1000, 16>}, {pipeline_mode = #tpu.pipeline_mode<synchronous>, transform_indices = @transform_3, window_bounds = array<i64: 128, 128>}, {pipeline_mode = #tpu.pipeline_mode<synchronous>, transform_indices = @transform_4, window_bounds = array<i64: 1, 128>}, {pipeline_mode = #tpu.pipeline_mode<synchronous>, transform_indices = @transform_5, window_bounds = array<i64: 128, 128>}, {pipeline_mode = #tpu.pipeline_mode<synchronous>, transform_indices = @transform_6, window_bounds = array<i64: 128, 64>}, {transform_indices = @transform_7, window_bounds = array<i64: 1000, 128>}, {transform_indices = @transform_8, window_bounds = array<i64: 1000, 64>}]} {
    %get3A = arith.constant 0 : index
    %get3A_0 = arith.constant 0 : index
    %get3A_1 = arith.constant 0 : index
    %get3A_2 = vector.load %arg2[%get3A, %get3A_0, %get3A_1] : memref<2x1000x128xf32, #tpu.memory_space<vmem>>, vector<1x1000x128xf32>
    %get3A_3 = vector.shape_cast %get3A_2 : vector<1x1000x128xf32> to vector<1000x128xf32>
    %get3A_4 = arith.constant 1 : index
    %get3A_5 = arith.constant 0 : index
    %get3A_6 = arith.constant 0 : index
    %get3A_7 = vector.load %arg2[%get3A_4, %get3A_5, %get3A_6] : memref<2x1000x128xf32, #tpu.memory_space<vmem>>, vector<1x1000x128xf32>
    %get3A_8 = vector.shape_cast %get3A_7 : vector<1x1000x128xf32> to vector<1000x128xf32>
    %add3A = arith.addf %get3A_3, %get3A_8 : vector<1000x128xf32>
    %get3A_9 = arith.constant 0 : index
    %get3A_10 = arith.constant 0 : index
    %get3A_11 = arith.constant 0 : index
    %get3A_12 = vector.load %arg3[%get3A_9, %get3A_10, %get3A_11] : memref<2x1000x16xf32, #tpu.memory_space<vmem>>, vector<1x1000x1xf32>
    %get3A_13 = vector.shape_cast %get3A_12 : vector<1x1000x1xf32> to vector<1000x1xf32>
    %get3A_14 = arith.constant 1 : index
    %get3A_15 = arith.constant 0 : index
    %get3A_16 = arith.constant 0 : index
    %get3A_17 = vector.load %arg3[%get3A_14, %get3A_15, %get3A_16] : memref<2x1000x16xf32, #tpu.memory_space<vmem>>, vector<1x1000x1xf32>
    %get3A_18 = vector.shape_cast %get3A_17 : vector<1x1000x1xf32> to vector<1000x1xf32>
    %add3A_19 = arith.addf %get3A_13, %get3A_18 : vector<1000x1xf32>
    %max3A = arith.constant 1.000000e+00 : f32
    %max3A_20 = vector.broadcast %max3A : f32 to vector<1000x1xf32>
    %max3A_21 = arith.maximumf %add3A_19, %max3A_20 : vector<1000x1xf32>
    %div3A = vector.broadcast %max3A_21 : vector<1000x1xf32> to vector<1000x128xf32>
    %div3A_22 = arith.divf %add3A, %div3A : vector<1000x128xf32>
    %get3A_23 = arith.constant 0 : index
    %get3A_24 = arith.constant 0 : index
    %get3A_25 = vector.load %arg4[%get3A_23, %get3A_24] : memref<128x128xf32, #tpu.memory_space<vmem>>, vector<128x128xf32>
    %dot_general3A = arith.constant dense<0.000000e+00> : vector<1000x128xf32>
    %dot_general3A_26 = tpu.matmul %div3A_22, %get3A_25, %dot_general3A {dimension_numbers = #tpu.dot_dimension_numbers<[1], [0], [0], [1], [0, 0, 1, 1], [], []>, transpose_lhs_hint = false} : vector<1000x128xf32>, vector<128x128xf32>, vector<1000x128xf32> -> vector<1000x128xf32>
    %get3A_27 = arith.constant 0 : index
    %get3A_28 = arith.constant 0 : index
    %get3A_29 = vector.load %arg5[%get3A_27, %get3A_28] : memref<1x128xf32, #tpu.memory_space<vmem>>, vector<1x128xf32>
    %add3A_30 = vector.broadcast %get3A_29 : vector<1x128xf32> to vector<1000x128xf32>
    %add3A_31 = arith.addf %dot_general3A_26, %add3A_30 : vector<1000x128xf32>
    %get3A_32 = arith.constant 0 : index
    %get3A_33 = arith.constant 0 : index
    %get3A_34 = vector.load %arg1[%get3A_32, %get3A_33] : memref<1000x128xf32, #tpu.memory_space<vmem>>, vector<1000x128xf32>
    %get3A_35 = arith.constant 0 : index
    %get3A_36 = arith.constant 0 : index
    %get3A_37 = vector.load %arg6[%get3A_35, %get3A_36] : memref<128x128xf32, #tpu.memory_space<vmem>>, vector<128x128xf32>
    %dot_general3A_38 = arith.constant dense<0.000000e+00> : vector<1000x128xf32>
    %dot_general3A_39 = tpu.matmul %get3A_34, %get3A_37, %dot_general3A_38 {dimension_numbers = #tpu.dot_dimension_numbers<[1], [0], [0], [1], [0, 0, 1, 1], [], []>, transpose_lhs_hint = false} : vector<1000x128xf32>, vector<128x128xf32>, vector<1000x128xf32> -> vector<1000x128xf32>
    %add3A_40 = arith.addf %add3A_31, %dot_general3A_39 : vector<1000x128xf32>
    %max3A_41 = arith.constant 0.000000e+00 : f32
    %max3A_42 = vector.broadcast %max3A_41 : f32 to vector<1000x128xf32>
    %max3A_43 = arith.maximumf %add3A_40, %max3A_42 : vector<1000x128xf32>
    %swap3A = arith.constant 0 : index
    %swap3A_44 = arith.constant 0 : index
    %swap3A_45 = vector.load %arg8[%swap3A, %swap3A_44] : memref<1000x128xf32, #tpu.memory_space<vmem>>, vector<1000x128xf32>
    tpu.vector_store %arg8[%swap3A, %swap3A_44], %max3A_43 {strides = array<i32>} : memref<1000x128xf32, #tpu.memory_space<vmem>>, vector<1000x128xf32>,
    %get3A_46 = arith.constant 0 : index
    %get3A_47 = arith.constant 0 : index
    %get3A_48 = vector.load %arg7[%get3A_46, %get3A_47] : memref<128x64xf32, #tpu.memory_space<vmem>>, vector<128x64xf32>
    %dot_general3A_49 = arith.constant dense<0.000000e+00> : vector<1000x64xf32>
    %dot_general3A_50 = tpu.matmul %max3A_43, %get3A_48, %dot_general3A_49 {dimension_numbers = #tpu.dot_dimension_numbers<[1], [0], [0], [1], [0, 0, 1, 1], [], []>, transpose_lhs_hint = false} : vector<1000x128xf32>, vector<128x64xf32>, vector<1000x64xf32> -> vector<1000x64xf32>
    %swap3A_51 = arith.constant 0 : index
    %swap3A_52 = arith.constant 0 : index
    %swap3A_53 = vector.load %arg9[%swap3A_51, %swap3A_52] : memref<1000x64xf32, #tpu.memory_space<vmem>>, vector<1000x64xf32>
    tpu.vector_store %arg9[%swap3A_51, %swap3A_52], %dot_general3A_50 {strides = array<i32>} : memref<1000x64xf32, #tpu.memory_space<vmem>>, vector<1000x64xf32>,
    return
  }
  func.func @transform_0(%arg0: i32) -> (i32, i32) {
    %c0_i32 = arith.constant 0 : i32
    %c0_i32_0 = arith.constant 0 : i32
    return %arg0, %c0_i32 : i32, i32
  }
  func.func @transform_1(%arg0: i32) -> (i32, i32, i32) {
    %c0_i32 = arith.constant 0 : i32
    %c0_i32_0 = arith.constant 0 : i32
    %c0_i32_1 = arith.constant 0 : i32
    return %c0_i32, %arg0, %c0_i32_0 : i32, i32, i32
  }
  func.func @transform_2(%arg0: i32) -> (i32, i32, i32) {
    %c0_i32 = arith.constant 0 : i32
    %c0_i32_0 = arith.constant 0 : i32
    %c0_i32_1 = arith.constant 0 : i32
    return %c0_i32, %arg0, %c0_i32_0 : i32, i32, i32
  }
  func.func @transform_3(%arg0: i32) -> (i32, i32) {
    %c0_i32 = arith.constant 0 : i32
    %c0_i32_0 = arith.constant 0 : i32
    %c0_i32_1 = arith.constant 0 : i32
    return %c0_i32, %c0_i32_0 : i32, i32
  }
  func.func @transform_4(%arg0: i32) -> (i32, i32) {
    %c0_i32 = arith.constant 0 : i32
    %c0_i32_0 = arith.constant 0 : i32
    %c0_i32_1 = arith.constant 0 : i32
    return %c0_i32, %c0_i32_0 : i32, i32
  }
  func.func @transform_5(%arg0: i32) -> (i32, i32) {
    %c0_i32 = arith.constant 0 : i32
    %c0_i32_0 = arith.constant 0 : i32
    %c0_i32_1 = arith.constant 0 : i32
    return %c0_i32, %c0_i32_0 : i32, i32
  }
  func.func @transform_6(%arg0: i32) -> (i32, i32) {
    %c0_i32 = arith.constant 0 : i32
    %c0_i32_0 = arith.constant 0 : i32
    %c0_i32_1 = arith.constant 0 : i32
    return %c0_i32, %c0_i32_0 : i32, i32
  }
  func.func @transform_7(%arg0: i32) -> (i32, i32) {
    %c0_i32 = arith.constant 0 : i32
    %c0_i32_0 = arith.constant 0 : i32
    return %arg0, %c0_i32 : i32, i32
  }
  func.func @transform_8(%arg0: i32) -> (i32, i32) {
    %c0_i32 = arith.constant 0 : i32
    %c0_i32_0 = arith.constant 0 : i32
    return %arg0, %c0_i32 : i32, i32
  }
}

module attributes {stable_mosaic.version = 14 : i64} {
  func.func @_tc2_body(%arg0: i32, %arg1: memref<1000x128xf32, #tpu.memory_space<vmem>>, %arg2: memref<2x1000x64xf32, #tpu.memory_space<vmem>>, %arg3: memref<2x1000x16xf32, #tpu.memory_space<vmem>>, %arg4: memref<128x64xf32, #tpu.memory_space<vmem>>, %arg5: memref<1x64xf32, #tpu.memory_space<vmem>>, %arg6: memref<64x1xf32, #tpu.memory_space<vmem>>, %arg7: memref<1x1xf32, #tpu.memory_space<vmem>>, %arg8: memref<1000x1xf32, #tpu.memory_space<vmem>>) attributes {dimension_semantics = [#tpu.dimension_semantics<arbitrary>], iteration_bounds = array<i64: 10>, scalar_prefetch = 0 : i64, scratch_operands = 0 : i64, tpu.core_type = #tpu.core_type<tc>, window_params = [{transform_indices = @transform_0, window_bounds = array<i64: 1000, 128>}, {transform_indices = @transform_1, window_bounds = array<i64: 2, 1000, 64>}, {transform_indices = @transform_2, window_bounds = array<i64: 2, 1000, 16>}, {pipeline_mode = #tpu.pipeline_mode<synchronous>, transform_indices = @transform_3, window_bounds = array<i64: 128, 64>}, {pipeline_mode = #tpu.pipeline_mode<synchronous>, transform_indices = @transform_4, window_bounds = array<i64: 1, 64>}, {pipeline_mode = #tpu.pipeline_mode<synchronous>, transform_indices = @transform_5, window_bounds = array<i64: 64, 1>}, {pipeline_mode = #tpu.pipeline_mode<synchronous>, transform_indices = @transform_6, window_bounds = array<i64: 1, 1>}, {transform_indices = @transform_7, window_bounds = array<i64: 1000, 1>}]} {
    %get3A = arith.constant 0 : index
    %get3A_0 = arith.constant 0 : index
    %get3A_1 = arith.constant 0 : index
    %get3A_2 = vector.load %arg2[%get3A, %get3A_0, %get3A_1] : memref<2x1000x64xf32, #tpu.memory_space<vmem>>, vector<1x1000x64xf32>
    %get3A_3 = vector.shape_cast %get3A_2 : vector<1x1000x64xf32> to vector<1000x64xf32>
    %get3A_4 = arith.constant 1 : index
    %get3A_5 = arith.constant 0 : index
    %get3A_6 = arith.constant 0 : index
    %get3A_7 = vector.load %arg2[%get3A_4, %get3A_5, %get3A_6] : memref<2x1000x64xf32, #tpu.memory_space<vmem>>, vector<1x1000x64xf32>
    %get3A_8 = vector.shape_cast %get3A_7 : vector<1x1000x64xf32> to vector<1000x64xf32>
    %add3A = arith.addf %get3A_3, %get3A_8 : vector<1000x64xf32>
    %get3A_9 = arith.constant 0 : index
    %get3A_10 = arith.constant 0 : index
    %get3A_11 = arith.constant 0 : index
    %get3A_12 = vector.load %arg3[%get3A_9, %get3A_10, %get3A_11] : memref<2x1000x16xf32, #tpu.memory_space<vmem>>, vector<1x1000x1xf32>
    %get3A_13 = vector.shape_cast %get3A_12 : vector<1x1000x1xf32> to vector<1000x1xf32>
    %get3A_14 = arith.constant 1 : index
    %get3A_15 = arith.constant 0 : index
    %get3A_16 = arith.constant 0 : index
    %get3A_17 = vector.load %arg3[%get3A_14, %get3A_15, %get3A_16] : memref<2x1000x16xf32, #tpu.memory_space<vmem>>, vector<1x1000x1xf32>
    %get3A_18 = vector.shape_cast %get3A_17 : vector<1x1000x1xf32> to vector<1000x1xf32>
    %add3A_19 = arith.addf %get3A_13, %get3A_18 : vector<1000x1xf32>
    %max3A = arith.constant 1.000000e+00 : f32
    %max3A_20 = vector.broadcast %max3A : f32 to vector<1000x1xf32>
    %max3A_21 = arith.maximumf %add3A_19, %max3A_20 : vector<1000x1xf32>
    %div3A = vector.broadcast %max3A_21 : vector<1000x1xf32> to vector<1000x64xf32>
    %div3A_22 = arith.divf %add3A, %div3A : vector<1000x64xf32>
    %get3A_23 = arith.constant 0 : index
    %get3A_24 = arith.constant 0 : index
    %get3A_25 = vector.load %arg5[%get3A_23, %get3A_24] : memref<1x64xf32, #tpu.memory_space<vmem>>, vector<1x64xf32>
    %add3A_26 = vector.broadcast %get3A_25 : vector<1x64xf32> to vector<1000x64xf32>
    %add3A_27 = arith.addf %div3A_22, %add3A_26 : vector<1000x64xf32>
    %get3A_28 = arith.constant 0 : index
    %get3A_29 = arith.constant 0 : index
    %get3A_30 = vector.load %arg1[%get3A_28, %get3A_29] : memref<1000x128xf32, #tpu.memory_space<vmem>>, vector<1000x128xf32>
    %get3A_31 = arith.constant 0 : index
    %get3A_32 = arith.constant 0 : index
    %get3A_33 = vector.load %arg4[%get3A_31, %get3A_32] : memref<128x64xf32, #tpu.memory_space<vmem>>, vector<128x64xf32>
    %dot_general3A = arith.constant dense<0.000000e+00> : vector<1000x64xf32>
    %dot_general3A_34 = tpu.matmul %get3A_30, %get3A_33, %dot_general3A {dimension_numbers = #tpu.dot_dimension_numbers<[1], [0], [0], [1], [0, 0, 1, 1], [], []>, transpose_lhs_hint = false} : vector<1000x128xf32>, vector<128x64xf32>, vector<1000x64xf32> -> vector<1000x64xf32>
    %add3A_35 = arith.addf %add3A_27, %dot_general3A_34 : vector<1000x64xf32>
    %max3A_36 = arith.constant 0.000000e+00 : f32
    %max3A_37 = vector.broadcast %max3A_36 : f32 to vector<1000x64xf32>
    %max3A_38 = arith.maximumf %add3A_35, %max3A_37 : vector<1000x64xf32>
    %get3A_39 = arith.constant 0 : index
    %get3A_40 = arith.constant 0 : index
    %get3A_41 = vector.load %arg6[%get3A_39, %get3A_40] : memref<64x1xf32, #tpu.memory_space<vmem>>, vector<64x1xf32>
    %dot_general3A_42 = arith.constant dense<0.000000e+00> : vector<1000x1xf32>
    %dot_general3A_43 = tpu.matmul %max3A_38, %get3A_41, %dot_general3A_42 {dimension_numbers = #tpu.dot_dimension_numbers<[1], [0], [0], [1], [0, 0, 1, 1], [], []>, transpose_lhs_hint = false} : vector<1000x64xf32>, vector<64x1xf32>, vector<1000x1xf32> -> vector<1000x1xf32>
    %get3A_44 = arith.constant 0 : index
    %get3A_45 = arith.constant 0 : index
    %get3A_46 = vector.load %arg7[%get3A_44, %get3A_45] : memref<1x1xf32, #tpu.memory_space<vmem>>, vector<1x1xf32>
    %add3A_47 = vector.broadcast %get3A_46 : vector<1x1xf32> to vector<1000x1xf32>
    %add3A_48 = arith.addf %dot_general3A_43, %add3A_47 : vector<1000x1xf32>
    %swap3A = arith.constant 0 : index
    %swap3A_49 = arith.constant 0 : index
    %swap3A_50 = vector.load %arg8[%swap3A, %swap3A_49] : memref<1000x1xf32, #tpu.memory_space<vmem>>, vector<1000x1xf32>
    tpu.vector_store %arg8[%swap3A, %swap3A_49], %add3A_48 {strides = array<i32>} : memref<1000x1xf32, #tpu.memory_space<vmem>>, vector<1000x1xf32>,
    return
  }
  func.func @transform_0(%arg0: i32) -> (i32, i32) {
    %c0_i32 = arith.constant 0 : i32
    %c0_i32_0 = arith.constant 0 : i32
    return %arg0, %c0_i32 : i32, i32
  }
  func.func @transform_1(%arg0: i32) -> (i32, i32, i32) {
    %c0_i32 = arith.constant 0 : i32
    %c0_i32_0 = arith.constant 0 : i32
    %c0_i32_1 = arith.constant 0 : i32
    return %c0_i32, %arg0, %c0_i32_0 : i32, i32, i32
  }
  func.func @transform_2(%arg0: i32) -> (i32, i32, i32) {
    %c0_i32 = arith.constant 0 : i32
    %c0_i32_0 = arith.constant 0 : i32
    %c0_i32_1 = arith.constant 0 : i32
    return %c0_i32, %arg0, %c0_i32_0 : i32, i32, i32
  }
  func.func @transform_3(%arg0: i32) -> (i32, i32) {
    %c0_i32 = arith.constant 0 : i32
    %c0_i32_0 = arith.constant 0 : i32
    %c0_i32_1 = arith.constant 0 : i32
    return %c0_i32, %c0_i32_0 : i32, i32
  }
  func.func @transform_4(%arg0: i32) -> (i32, i32) {
    %c0_i32 = arith.constant 0 : i32
    %c0_i32_0 = arith.constant 0 : i32
    %c0_i32_1 = arith.constant 0 : i32
    return %c0_i32, %c0_i32_0 : i32, i32
  }
  func.func @transform_5(%arg0: i32) -> (i32, i32) {
    %c0_i32 = arith.constant 0 : i32
    %c0_i32_0 = arith.constant 0 : i32
    %c0_i32_1 = arith.constant 0 : i32
    return %c0_i32, %c0_i32_0 : i32, i32
  }
  func.func @transform_6(%arg0: i32) -> (i32, i32) {
    %c0_i32 = arith.constant 0 : i32
    %c0_i32_0 = arith.constant 0 : i32
    %c0_i32_1 = arith.constant 0 : i32
    return %c0_i32, %c0_i32_0 : i32, i32
  }
  func.func @transform_7(%arg0: i32) -> (i32, i32) {
    %c0_i32 = arith.constant 0 : i32
    %c0_i32_0 = arith.constant 0 : i32
    return %arg0, %c0_i32 : i32, i32
  }
}

</mosaic_0001>

<sc_bundles>
// kernel: sc_segsum_d128.3.cloned.1.call-start
scs
__scs_entry_jumppad:
0x0: {  	(pc) =	sbr.rel $0x88, $3  }
0x1: {  	(tag) =	ssettag $0x0;
	lr =	simm.s32 $0x1  }
0x2: {  	[smem:$0x3F97] =	sst lr;
	_ =	strace $0xD0000000  }
0x3: {  	_ = 	snop  }
0x4: {  	_ = 	snop  }
0x5: {  	_ = 	snop  }
0x6: {  	_ = 	snop  }
0x7: {  	_ = 	snop  }
__scs_overlays_trampoline_lowered:
0x8: {  	[smem:$0x3FA6] =	sst s0  }
0x9: {  	[smem:$0x3FA7] =	sst s1  }
0xa: {  	[smem:$0x3FA8] =	sst s2  }
0xb: {  	[smem:$0x3FA9] =	sst s3  }
0xc: {  	[smem:$0x3FAA] =	sst s4  }
0xd: {  	[smem:$0x3FAB] =	sst s5  }
0xe: {  	[smem:$0x3FAC] =	sst s6  }
0xf: {  	[smem:$0x3FAD] =	sst s7  }
0x10: {  	[smem:$0x3FAE] =	sst s8  }
0x11: {  	[smem:$0x3FAF] =	sst s9;
	s0 =	simm.s32 @!p0 $0x0  }
0x12: {  	s1 =	sld [smem:$0x3F95];
	s0 =	simm.s32 @p0 $0x1  }
0x13: {  	[smem:$0x3FB0] =	sst s0;
	s0 =	simm.s32 @!p1 $0x0  }
0x14: {  	s2 =	sld [smem:$0x3F94];
	s0 =	simm.s32 @p1 $0x1  }
0x15: {  	[smem:$0x3FB1] =	sst s0;
	s0 =	simm.s32 @!p2 $0x0  }
0x16: {  	s3 =	sld [smem:$0x3FDB];
	s0 =	simm.s32 @p2 $0x1  }
0x17: {  	s4 =	simm.s32 $0x1BF5;
	[smem:$0x3FB3] =	sst s0  }
0x18: {  	s0 =	sld [smem:$0x3F96];
	_ =	swait.ge [sflag:s4], $0x0  }
0x19: {  	s7 =	sld [smem:$0x3F97]  }
0x1a: {  	s8 =	sadd.s32 $0xFFFFE003, lr  }
0x1b: {  	s9 =	sadd.s32 $0xFFFFFEF7, lr;
	s5 =	simm.s32 $0xFFFFFFFF;
	p2 =	slt.u32 s8, $0xFFFFF086  }
0x1c: {  	p1 =	slt.u32 s9, $0xF7A;
	s5 =	simm.s32 @!p2 $0x0  }
0x1d: {  	s5 =	simm.s32 @p1 $0x1;
	p0 =	seq.s32 s7, s2  }
0x1e: {  	s7 =	smul.u32 @!p0 $0xF7A, s2;
	p2 =	seq.s32 @!p0 s5, $0x0  }
0x1f: {  	s9 =	smul.u32 $0xF7A, s1;
	s8 =	simm.s32 @!p0 $0x1BF5;
	p2 =	por !p2, p0  }
0x20: {  	[sflag:s8] =	ssyncset.s32 @!p0 $0xFFFFF086;
	s6 =	sadd.s32 @!p0 s3, s7;
	s7 =	simm.s32 @!p0 $0x108  }
0x21: {  	s3 =	sadd.s32 s3, s9;
	s6 =	sadd.s32 @!p0 $0x88, s6;
	s7 =	simm.s32 @p2 $0x1082  }
0x22: {  	[simem:s7], [sflag:s8] =	dma.local @!p0 [hbm:s6], $0xF7A  }
0x23: {  	s9 =	sor.u32 $0xD0000000, s2;
	s6 =	simm.s32 $0x108;
	_ =	swait.ge @!p0 [sflag:s8], $0x0  }
0x24: {  	s3 =	sadd.s32 $0x88, s3;
	s6 =	simm.s32 @!p1 $0x1082;
	[sflag:s4] =	ssyncset.s32 $0xFFFFF086  }
0x25: {  	[simem:s6], [sflag:s4] =	dma.local [hbm:s3], $0xF7A  }
0x26: {  	[smem:$0x3F97] =	sst s1;
	(tag) =	ssettag s2;
	_ =	strace s9  }
0x27: {  	s1 =	sld [smem:$0x3FA7]  }
0x28: {  	s2 =	sld [smem:$0x3FA8]  }
0x29: {  	s4 =	sld [smem:$0x3FAA]  }
0x2a: {  	p0 =	seq.s32 s5, $0x0;
	s5 =	sld [smem:$0x3FAB]  }
0x2b: {  	s6 =	sld [smem:$0x3FAC]  }
0x2c: {  	s7 =	sld [smem:$0x3FAD]  }
0x2d: {  	s3 =	simm.s32 $0x108;
	s8 =	sld [smem:$0x3FAE]  }
0x2e: {  	s3 =	simm.s32 @!p0 $0x1082;
	s9 =	sld [smem:$0x3FAF]  }
0x2f: {  	lr =	sadd.s32 s0, s3;
	s0 =	sld [smem:$0x3FA6]  }
0x30: {  	s3 =	sld [smem:$0x3FA9]  }
0x31: {  	[smem:$0x3FB2] =	sst s10  }
0x32: {  	s10 =	sld [smem:$0x3FB0];
	_ =	sdelay $0x3  }
0x33: {  	p0 =	seq.s32 s10, $0x1;
	s10 =	sld [smem:$0x3FB2];
	_ =	sdelay $0x3  }
0x34: {  	[smem:$0x3FB2] =	sst s10  }
0x35: {  	s10 =	sld [smem:$0x3FB1];
	_ =	sdelay $0x3  }
0x36: {  	p1 =	seq.s32 s10, $0x1;
	s10 =	sld [smem:$0x3FB2];
	_ =	sdelay $0x3  }
0x37: {  	[smem:$0x3FB2] =	sst s10  }
0x38: {  	s10 =	sld [smem:$0x3FB3]  }
0x39: {  	_ = 	snop;
	(pc) =	sbr.ind lr, $3  }
0x3a: {  	_ = 	snop  }
0x3b: {  	_ = 	snop  }
0x3c: {  	p2 =	seq.s32 s10, $0x1;
	s10 =	sld [smem:$0x3FB2]  }
0x3d: {  	_ =	shalt  }
0x3e: {  	_ =	shalt  }
0x3f: {  	_ =	shalt  }
0x40: {  	_ =	shalt  }
0x41: {  	_ =	shalt  }
0x42: {  	_ =	shalt  }
0x43: {  	_ =	shalt  }
0x44: {  	_ =	shalt  }
0x45: {  	_ =	shalt  }
0x46: {  	_ =	shalt  }
0x47: {  	_ =	shalt  }
0x48: {  	_ =	shalt  }
0x49: {  	_ =	shalt  }
0x4a: {  	_ =	shalt  }
0x4b: {  	_ =	shalt  }
0x4c: {  	_ =	shalt  }
0x4d: {  	_ =	shalt  }
0x4e: {  	_ =	shalt  }
0x4f: {  	_ =	shalt  }
0x50: {  	_ =	shalt  }
0x51: {  	_ =	shalt  }
0x52: {  	_ =	shalt  }
0x53: {  	_ =	shalt  }
0x54: {  	_ =	shalt  }
0x55: {  	_ =	shalt  }
0x56: {  	_ =	shalt  }
0x57: {  	_ =	shalt  }
0x58: {  	_ =	shalt  }
0x59: {  	_ =	shalt  }
0x5a: {  	_ =	shalt  }
0x5b: {  	_ =	shalt  }
0x5c: {  	_ =	shalt  }
0x5d: {  	_ =	shalt  }
0x5e: {  	_ =	shalt  }
0x5f: {  	_ =	shalt  }
0x60: {  	_ =	shalt  }
0x61: {  	_ =	shalt  }
0x62: {  	_ =	shalt  }
0x63: {  	_ =	shalt  }
0x64: {  	_ =	shalt  }
0x65: {  	_ =	shalt  }
0x66: {  	_ =	shalt  }
0x67: {  	_ =	shalt  }
0x68: {  	_ =	shalt  }
0x69: {  	_ =	shalt  }
0x6a: {  	_ =	shalt  }
0x6b: {  	_ =	shalt  }
0x6c: {  	_ =	shalt  }
0x6d: {  	_ =	shalt  }
0x6e: {  	_ =	shalt  }
0x6f: {  	_ =	shalt  }
0x70: {  	_ =	shalt  }
0x71: {  	_ =	shalt  }
0x72: {  	_ =	shalt  }
0x73: {  	_ =	shalt  }
0x74: {  	_ =	shalt  }
0x75: {  	_ =	shalt  }
0x76: {  	_ =	shalt  }
0x77: {  	_ =	shalt  }
0x78: {  	_ =	shalt  }
0x79: {  	_ =	shalt  }
0x7a: {  	_ =	shalt  }
0x7b: {  	_ =	shalt  }
0x7c: {  	_ =	shalt  }
0x7d: {  	_ =	shalt  }
0x7e: {  	_ =	shalt  }
0x7f: {  	_ =	shalt  }
0x80: {  	_ =	shalt  }
0x81: {  	_ =	shalt  }
0x82: {  	_ =	shalt  }
0x83: {  	_ =	shalt  }
0x84: {  	_ =	shalt  }
0x85: {  	_ =	shalt  }
0x86: {  	_ =	shalt  }
0x87: {  	_ =	shalt  }
.Lfunc_end0:
.L_simem_size_0:
called_computation_lowered:
.L_overlay_start_0:
0x88: {  	s2 =	sld [smem:$0x3FD9]  }
0x89: {  	s3 =	sld [smem:$0x3FFE];
	_ =	sdelay $0x1  }
0x8a: {  	s1 =	srdreg.scid  }
0x8b: {  	s0 =	sand.u32 $0x1, s1  }
0x8c: {  	s17 =	sshll.u32 s0, $0xA;
	s2 =	sadd.s32 s3, s2  }
0x8d: {  	s2 =	sadd.s32 s2, s17  }
0x8e: {  	[smem:$0x3FBE] =	sst s2  }
0x8f: {  	_ = 	snop  }
0x90: {  	s2 =	sld [smem:$0x3FC9];
	(tm) =	ssettm $0x1  }
0x91: {  	s18 =	sld [smem:$0x3FFB];
	_ =	sdelay $0x3  }
0x92: {  	_ =	strace s18  }
0x93: {  	s3 =	sld [smem:$0x3FFC];
	_ =	sdelay $0x3  }
0x94: {  	_ =	strace s3  }
0x95: {  	s3 =	sld [smem:$0x3FFD];
	_ =	sdelay $0x3  }
0x96: {  	_ =	strace s3  }
0x97: {  	_ =	strace $0x8FFFFFFF  }
0x98: {  	s19 =	sld [smem:$0x3FDB];
	_ =	sdelay $0x1  }
0x99: {  	s4 =	simm.s32 $_scs_section_size  }
0x9a: {  	s5 =	simm.s32 $_size__tile_overlayer_lowered;
	s6 =	simm.s32 $_tile_overlayer_lowered  }
0x9b: {  	s22 =	simm.s32 $0x1BFF;
	s21 =	sshll.u32 s6, $0x1;
	s3 =	sadd.s32 s4, s19  }
0x9c: {  	s7 =	simm.s32 $0x0;
	s20 =	sshll.u32 s5, $0x1;
	s5 =	sadd.s32 s21, s3  }
0x9d: {  	[timem:s7], [sflag:s22] =	dma.local [hbm:s5], s20  }
0x9e: {  	_ =	swait.ge [sflag:s22], s20  }
0x9f: {  	s4 =	ssub.s32 $0x0, s20;
	[sflag:s22] =	ssyncset.done $0x0  }
0xa0: {  	[sflag:s22] =	ssyncadd.s32 s4;
	_ =	sdelay $0x1  }
0xa1: {  	s23 =	simm.s32 $0x1B8B  }
0xa2: {  	_ =	swait.ge [sflag:s23], $0x1  }
0xa3: {  	[sflag:s23] =	ssyncset.done $0x0  }
0xa4: {  	s25 =	simm.s32 $0x1B8E;
	s24 =	sld [smem:$0x3FFE];
	[sflag:s23] =	ssyncadd.s32 $0xFFFFFFFF  }
0xa5: {  	s26 =	simm.s32 $execute0_lowered;
	[smem:$0x3FD2] =	sst s25  }
0xa6: {  	s5 =	sshll.u32 s26, $0x1;
	_ =	strace $0x80000046;
	[dreg:$0x1] =	wrdreg $0xFFFFFFFF  }
0xa7: {  	s28 =	simm.s32 $_size_execute0_lowered;
	s3 =	sadd.s32 s3, s5;
	[dreg:$0x0] =	wrdreg $0x0  }
0xa8: {  	s5 =	sshll.u32 s28, $0x1;
	[dreg:$0x2] =	wrdreg s3  }
0xa9: {  	[dreg:$0x3] =	wrdreg s5  }
0xaa: {  	[dreg:$0x4] =	wrdreg $0xC0  }
0xab: {  	_ =	task [dreg:s7], $0x5FFFF  }
0xac: {  	[dreg:$0x1] =	wrdreg $0xFFFFFFFF  }
0xad: {  	[dreg:$0x0] =	wrdreg $0x60  }
0xae: {  	[dreg:$0x2] =	wrdreg s2  }
0xaf: {  	[dreg:$0x3] =	wrdreg s24  }
0xb0: {  	[dreg:$0x4] =	wrdreg $0x0  }
0xb1: {  	[dreg:$0x5] =	wrdreg $0x140000  }
0xb2: {  	[dreg:$0x6] =	wrdreg $0x9  }
0xb3: {  	_ =	task.clear_ibuf [dreg:s7], $0x7FFFF;
	_ =	strace $0x90000046  }
0xb4: {  	s29 =	simm.s32 $0x9;
	_ =	strace $0x80000048  }
0xb5: {  	_ =	swait.ge [sflag:s29], $0x1  }
0xb6: {  	[sflag:s29] =	ssyncadd.s32 $0xFFFFFFFF  }
0xb7: {  	_ =	strace $0x90000048  }
0xb8: {  	_ =	sfence  }
0xb9: {  	s30 =	sld [smem:$0x0];
	_ =	sdelay $0x2  }
0xba: {  	s31 =	sshll.u32 s1, $0xD;
	s1 =	sshrl.u32 s1, $0x2  }
0xbb: {  	s3 =	sand.u32 $0x4000, s31;
	s1 =	sadd.s32 s1, s30  }
0xbc: {  	s0 =	sor.u32 s3, s0;
	s1 =	sshll.u32 s1, $0x11  }
0xbd: {  	s0 =	sor.u32 s1, s0  }
0xbe: {  	s0 =	sadd.s32 $0x8F2B, s0  }
0xbf: {  	[sflag:s0] =	ssyncadd.remote.s32 $0x1  }
0xc0: {  	_ =	sfence.sel $0xFFFF  }
0xc1: {  	[dreg:$0x0] =	wrdreg $0xFFFFFFFF;
	(pc) =	sbr.abs _section_cstart, $3  }
0xc2: {  	[dreg:$0x1] =	wrdreg $0xFFFFFFFF  }
0xc3: {  	_ =	task.clear_ibuf [dreg:s7], $0x2FFFF;
	_ =	strace $0x9FFFFFFF  }
0xc4: {  	(tm) =	ssettm $0x7FFFFFFF  }
0xc5: {  	_ =	shalt  }
tec
execute0_lowered:
.L_overlay_start_1:
0x0: {  	(tag) =	ssettag $0x1  }
0x1: {  	s1 =	rddreg [dreg:$0x0]  }
0x2: {  	s0 =	rddreg [dreg:$0x1]  }
0x3: {  	s3 =	rddreg [dreg:$0x2]  }
0x4: {  	s2 =	srdreg.scid;
	s17 =	stileid.u32  }
0x5: {  	s4 =	rddreg [dreg:$0x3];
	s5 =	simm.s32 $0x0;
	s9 =	smul.u32 $0x14000, s17  }
0x6: {  	s30 =	simm.s32 $0x16800;
	s31 =	simm.s32 $0x16900;
	s10 =	smul.u32 $0x2800, s17  }
0x7: {  	s2 =	sand.u32 $0x1, s2;
	[smem:$0x7FF] =	sst s5;
	s15 =	smul.u32 $0x280, s17  }
0x8: {  	s7 =	sadd.s32 $0x1600, s0;
	s14 =	sshll.u32 s17, $0x1;
	s6 =	smul.u32 $0x140000, s2  }
0x9: {  	_ =	strace $0x80000047;
	s11 =	smul.u32 $0x28000, s2;
	s21 =	ssub.s32 $0x2, s2  }
0xa: {  	s22 =	sor.u32 s2, s14;
	s2 =	sshll.u32 s2, $0x7;
	s13 =	sshrl.u32 s21, $0x1  }
0xb: {  	s23 =	ssub.s32 $0x9E3, s22;
	s14 =	sshll.u32 s22, $0x4;
	s16 =	sadd.s32 $0x80, s15  }
0xc: {  	s8 =	sadd.s32 s9, s6;
	s6 =	sadd.s32 $0xB400, s0;
	s20 =	sadd.s32 s10, s11  }
0xd: {  	s11 =	ssub.s32 s21, s13;
	s25 =	sor.u32 $0x200, s14;
	s28 =	sshll.u32 s16, $0x7  }
0xe: {  	s16 =	sshll.u32 s16, $0x4;
	s21 =	sshll.u32 s17, $0x8;
	s24 =	sadd.s32 s6, s14  }
0xf: {  	s17 =	simm.s32 $0x1AA00;
	s14 =	sadd.s32 s7, s14;
	[dreg:$0x5] =	wrdreg s24  }
0x10: {  	s8 =	sshrl.u32 s8, $0x3;
	s26 =	sadd.s32 s6, s25;
	[dreg:$0x6] =	wrdreg s14  }
0x11: {  	s13 =	sadd.s32 s7, s25;
	s2 =	sor.u32 s2, s21;
	[dreg:$0x7] =	wrdreg s26  }
0x12: {  	s12 =	sadd.s32 s8, s0;
	s8 =	sshrl.u32 s20, $0x3;
	[dreg:$0x8] =	wrdreg s13  }
0x13: {  	s13 =	sadd.s32 s9, s3;
	s14 =	sadd.s32 s10, s4;
	s9 =	sadd.s32 s28, s3  }
0x14: {  	s10 =	sadd.s32 $0x100, s15;
	s20 =	sadd.s32 $0x180, s15;
	s15 =	sadd.s32 $0x200, s15  }
0x15: {  	s0 =	sadd.s32 s8, s0;
	s8 =	sshrl.u32 s23, $0x5;
	[dreg:$0x9] =	wrdreg s9  }
0x16: {  	s18 =	sshll.u32 s10, $0x7;
	s9 =	sshll.u32 s10, $0x4;
	s10 =	sadd.s32 s16, s4  }
0x17: {  	s22 =	sshll.u32 s20, $0x7;
	s23 =	sshll.u32 s15, $0x7;
	s25 =	sshll.u32 s15, $0x4  }
0x18: {  	s26 =	sadd.s32 $0x1F200, s12;
	s12 =	simm.s32 $0x80;
	[dreg:$0xa] =	wrdreg s10  }
0x19: {  	s15 =	simm.s32 $0x1;
	s19 =	sadd.s32 s18, s3;
	[dreg:$0x11] =	wrdreg s26  }
0x1a: {  	s16 =	simm.s32 $0x2;
	s9 =	sadd.s32 s9, s4;
	[dreg:$0xb] =	wrdreg s19  }
0x1b: {  	s10 =	sadd.s32 s22, s3;
	s24 =	sadd.s32 s23, s3;
	[dreg:$0xc] =	wrdreg s9  }
0x1c: {  	s28 =	sadd.s32 $0x1, s8;
	s0 =	sadd.s32 $0x15200, s0;
	[dreg:$0xd] =	wrdreg s10  }
0x1d: {  	s29 =	sadd.s32 $0xFFFFFFFF, s8;
	s18 =	simm.s32 $0x0;
	[dreg:$0xf] =	wrdreg s24  }
.Ltmp0:
0x1e: {  	s9 =	sshll.u32 s20, $0x4;
	[dreg:$0x12] =	wrdreg s0;
	(pc) =	sbr.rel .LBB2_1-.Ltmp0, $4  }
0x1f: {  	s26 =	sand.u32 $0x5E, s28;
	s19 =	sor.u32 $0x2000, s2;
	s0 =	simm.s32 $0x16980  }
0x20: {  	s2 =	simm.s32 $0x16A00;
	s10 =	simm.s32 $0x1EA00;
	s9 =	sadd.s32 s9, s4  }
0x21: {  	[dreg:$0xe] =	wrdreg s9;
	s9 =	sadd.s32 s25, s4;
	s25 =	smax.u32 s11, $0x1  }
0x22: {  	v0 =	vimm.f32 $0.0e+00;
	v1 =	vimm.f32 $1.000000000e+00;
	s11 =	simm.s32 $0x3;
	[dreg:$0x10] =	wrdreg s9;
	s9 =	simm.s32 $0x5  }
.LBB2_11:
0x23: {  	s20 =	stileid.u32  }
0x24: {  	[bflag:$0x0] =	sbarrier.arrive $0xFFFF;
	s20 =	sshll.u32 s20, $0x6  }
0x25: {  	s21 =	sshrl.u32 s13, $0x3;
	s22 =	rddreg [dreg:$0x11];
	s20 =	sor.u32 $0x1C05, s20  }
0x26: {  	[hbm:s22], [sflag:s20] =	dma.local [spmem:s21], $0x2800  }
0x27: {  	s18 =	sadd.s32 $0x1, s18;
	_ =	swait.ge [sflag:s9], $0x2800  }
0x28: {  	s24 =	sshrl.u32 s14, $0x3;
	p0 =	sne.s32 s18, s25;
	[sflag:s9] =	ssyncset.done $0x0  }
.Ltmp1:
0x29: {  	s28 =	rddreg [dreg:$0x12];
	[sflag:s9] =	ssyncadd.s32 $0xFFFFD800;
	(pc) =	sbr.rel @!p0 .LBB2_12-.Ltmp1, $4  }
0x2a: {  	[hbm:s28], [sflag:s20] =	dma.local [spmem:s24], $0x500  }
0x2b: {  	_ =	swait.ge [sflag:s9], $0x500  }
0x2c: {  	[sflag:s9] =	ssyncset.done $0x0  }
0x2d: {  	[sflag:s9] =	ssyncadd.s32 $0xFFFFFB00  }
.LBB2_1:
0x2e: {  	s20 =	rddreg [dreg:$0x5]  }
0x2f: {  	[tilespmem:s30], [sflag:$0x3] =	stream.linear.gather [hbm4b:s20+s5], $0x80, $0x38;
	[tilespmem:$0x1F200] =	vst v63  }
0x30: {  	s22 =	rddreg [dreg:$0x6]  }
0x31: {  	[tilespmem:s31], [sflag:$0x3] =	stream.linear.gather [hbm4b:s22+s5], $0x80, $0x38;
	[tilespmem:$0x1F200] =	vst v63  }
0x32: {  	s23 =	rddreg [dreg:$0x7];
	s21 =	simm.s32 $0x16880  }
0x33: {  	[tilespmem:s21], [sflag:$0x4] =	stream.linear.gather [hbm4b:s23+s5], $0x80, $0x38;
	[tilespmem:$0x1F200] =	vst v63  }
0x34: {  	s24 =	rddreg [dreg:$0x8];
	s20 =	simm.s32 $0x16A40  }
0x35: {  	[tilespmem:s0], [sflag:$0x4] =	stream.linear.gather [hbm4b:s24+s5], $0x80, $0x38;
	[tilespmem:$0x1F200] =	vst v63  }
0x36: {  	[tilespmem:s20+$0xFFFFFFD0] =	vst v0  }
0x37: {  	[tilespmem:s20+$0xFFFFFFE0] =	vst v0  }
0x38: {  	[tilespmem:s20+$0xFFFFFFF0] =	vst v0  }
0x39: {  	[tilespmem:s20+$0x0] =	vst v0  }
0x3a: {  	[tilespmem:s20+$0x10] =	vst v0  }
0x3b: {  	[tilespmem:s20+$0x20] =	vst v0  }
0x3c: {  	[tilespmem:s20+$0x30] =	vst v0  }
0x3d: {  	s28 =	simm.s32 $0x0;
	s21 =	simm.s32 $0x40;
	[tilespmem:s20+$0xFFFFFFC0] =	vst v0  }
.LBB2_2:
0x3e: {  	p0 =	sne.s32 s21, $0x1FC0;
	[tilespmem:s28+$0x1EA00] =	vst v0;
	s20 =	sadd.s32 $0x80, s20  }
0x3f: {  	[tilespmem:s20+$0xFFFFFFD0] =	vst v0  }
0x40: {  	[tilespmem:s20+$0xFFFFFFE0] =	vst v0  }
0x41: {  	[tilespmem:s20+$0xFFFFFFF0] =	vst v0  }
.Ltmp2:
0x42: {  	[tilespmem:s20+$0x0] =	vst v0;
	(pc) =	sbr.rel @p0 .LBB2_2-.Ltmp2, $4  }
0x43: {  	[tilespmem:s20+$0x10] =	vst v0  }
0x44: {  	[tilespmem:s20+$0x20] =	vst v0  }
0x45: {  	[tilespmem:s20+$0x30] =	vst v0  }
0x46: {  	s28 =	sshra.s32 s21, $0x2;
	s21 =	sadd.s32 $0x40, s21;
	[tilespmem:s20+$0xFFFFFFC0] =	vst v0  }
0x47: {  	[tilespmem:s28+$0x1EA00] =	vst v0  }
0x48: {  	[spmem:s13] =	stream.linear.scatter [tilespmem:s2], [sflag:$0x5], $0x4000, $0x38;
	[tilespmem:$0x1F200] =	vst v63  }
0x49: {  	_ =	swait.ge [sflag:s9], $0x4000  }
0x4a: {  	[sflag:s9] =	ssyncset.done $0x0  }
0x4b: {  	[sflag:s9] =	ssyncadd.s32 $0xFFFFC000  }
0x4c: {  	[spmem:s14] =	stream.linear.scatter [tilespmem:s10], [sflag:$0x5], $0x800, $0x38;
	[tilespmem:$0x1F200] =	vst v63  }
0x4d: {  	_ =	swait.ge [sflag:s9], $0x800  }
0x4e: {  	[sflag:s9] =	ssyncset.done $0x0  }
0x4f: {  	s20 =	rddreg [dreg:$0x9];
	[sflag:s9] =	ssyncadd.s32 $0xFFFFF800  }
0x50: {  	[spmem:s20] =	stream.linear.scatter [tilespmem:s2], [sflag:$0x5], $0x4000, $0x38;
	[tilespmem:$0x1F200] =	vst v63  }
0x51: {  	_ =	swait.ge [sflag:s9], $0x4000  }
0x52: {  	[sflag:s9] =	ssyncset.done $0x0  }
0x53: {  	s24 =	rddreg [dreg:$0xa];
	[sflag:s9] =	ssyncadd.s32 $0xFFFFC000  }
0x54: {  	[spmem:s24] =	stream.linear.scatter [tilespmem:s10], [sflag:$0x5], $0x800, $0x38;
	[tilespmem:$0x1F200] =	vst v63  }
0x55: {  	_ =	swait.ge [sflag:s9], $0x800  }
0x56: {  	[sflag:s9] =	ssyncset.done $0x0  }
0x57: {  	s28 =	rddreg [dreg:$0xb];
	[sflag:s9] =	ssyncadd.s32 $0xFFFFF800  }
0x58: {  	[spmem:s28] =	stream.linear.scatter [tilespmem:s2], [sflag:$0x5], $0x4000, $0x38;
	[tilespmem:$0x1F200] =	vst v63  }
0x59: {  	_ =	swait.ge [sflag:s9], $0x4000  }
0x5a: {  	[sflag:s9] =	ssyncset.done $0x0  }
0x5b: {  	s21 =	rddreg [dreg:$0xc];
	[sflag:s9] =	ssyncadd.s32 $0xFFFFC000  }
0x5c: {  	[spmem:s21] =	stream.linear.scatter [tilespmem:s10], [sflag:$0x5], $0x800, $0x38;
	[tilespmem:$0x1F200] =	vst v63  }
0x5d: {  	_ =	swait.ge [sflag:s9], $0x800  }
0x5e: {  	[sflag:s9] =	ssyncset.done $0x0  }
0x5f: {  	s22 =	rddreg [dreg:$0xd];
	[sflag:s9] =	ssyncadd.s32 $0xFFFFF800  }
0x60: {  	[spmem:s22] =	stream.linear.scatter [tilespmem:s2], [sflag:$0x5], $0x4000, $0x38;
	[tilespmem:$0x1F200] =	vst v63  }
0x61: {  	_ =	swait.ge [sflag:s9], $0x4000  }
0x62: {  	[sflag:s9] =	ssyncset.done $0x0  }
0x63: {  	s23 =	rddreg [dreg:$0xe];
	[sflag:s9] =	ssyncadd.s32 $0xFFFFC000  }
0x64: {  	[spmem:s23] =	stream.linear.scatter [tilespmem:s10], [sflag:$0x5], $0x800, $0x38;
	[tilespmem:$0x1F200] =	vst v63  }
0x65: {  	_ =	swait.ge [sflag:s9], $0x800  }
0x66: {  	[sflag:s9] =	ssyncset.done $0x0  }
0x67: {  	s24 =	rddreg [dreg:$0xf];
	[sflag:s9] =	ssyncadd.s32 $0xFFFFF800  }
0x68: {  	[spmem:s24] =	stream.linear.scatter [tilespmem:s2], [sflag:$0x5], $0x4000, $0x38;
	[tilespmem:$0x1F200] =	vst v63  }
0x69: {  	_ =	swait.ge [sflag:s9], $0x4000  }
0x6a: {  	[sflag:s9] =	ssyncset.done $0x0  }
0x6b: {  	s28 =	rddreg [dreg:$0x10];
	[sflag:s9] =	ssyncadd.s32 $0xFFFFC000  }
0x6c: {  	[spmem:s28] =	stream.linear.scatter [tilespmem:s10], [sflag:$0x5], $0x800, $0x38;
	[tilespmem:$0x1F200] =	vst v63  }
0x6d: {  	_ =	swait.ge [sflag:s9], $0x800  }
0x6e: {  	[sflag:s9] =	ssyncset.done $0x0  }
0x6f: {  	s20 =	simm.s32 $0x40;
	s21 =	simm.s32 $0x0;
	[sflag:s9] =	ssyncadd.s32 $0xFFFFF800  }
.LBB2_4:
0x70: {  	p0 =	sne.s32 s20, $0x1FC0;
	[tilespmem:s21+$0x1EA00] =	vst v1;
	s21 =	smov.u32 s20;
	s20 =	sadd.s32 $0x40, s20  }
.Ltmp3:
0x71: {  	(pc) =	sbr.rel @p0 .LBB2_4-.Ltmp3, $2  }
0x72: {  	_ =	sdelay $0x2  }
0x73: {  	s21 =	sshra.s32 s21, $0x2  }
0x74: {  	[tilespmem:s21+$0x1EA00] =	vst v1  }
0x75: {  	_ =	swait.ge [sflag:s11], $0x80  }
0x76: {  	[sflag:s11] =	ssyncset.done $0x0  }
0x77: {  	[sflag:s11] =	ssyncadd.s32 $0xFFFFFF80  }
0x78: {  	_ =	swait.ge [sflag:s11], $0x80  }
.Ltmp4:
0x79: {  	[sflag:s11] =	ssyncset.done $0x0;
	(pc) =	sbr.rel .LBB2_6-.Ltmp4, $4  }
0x7a: {  	[sflag:s11] =	ssyncadd.s32 $0xFFFFFF80  }
0x7b: {  	[tilespmem:s2], [sflag:$0x1] =	stream.indirect.gather [hbm4b:s1+s12], $0x80, s30, s12, $0xb8;
	[tilespmem:$0x1F200] =	vst v63  }
0x7c: {  	[bflag:$0x0] =	sbarrier.arrive $0xFFFF  }
0x7d: {  	s21 =	simm.s32 $0x0;
	s28 =	smov.u32 s19  }
.LBB2_9:
0x7e: {  	_ =	swait.ge [sflag:s16], $0x4000  }
0x7f: {  	[sflag:s16] =	ssyncset.done $0x0  }
0x80: {  	[sflag:s16] =	ssyncadd.s32 $0xFFFFC000  }
0x81: {  	[spmem:s3] =	stream.indirect.scatter.add.f32 [tilespmem:s17], [sflag:$0x5], $0x80, s0, s12, $0xb8;
	[tilespmem:$0x1F200] =	vst v63  }
0x82: {  	_ =	swait.ge [sflag:s9], $0x4000  }
0x83: {  	s20 =	sadd.s32 $0x3, s20;
	[sflag:s9] =	ssyncset.done $0x0  }
0x84: {  	p0 =	sge.u32 s20, s8;
	[sflag:s9] =	ssyncadd.s32 $0xFFFFC000  }
0x85: {  	[spmem:s4] =	stream.indirect.scatter.add.f32 [tilespmem:s10], [sflag:$0x5], $0x10, s0, s12, $0xb8;
	[tilespmem:$0x1F200] =	vst v63  }
0x86: {  	s20 =	sadd.s32 @!p0 $0x1000, s28;
	_ =	swait.ge [sflag:s9], $0x800  }
0x87: {  	s23 =	simm.s32 @!p0 $0x0;
	s20 =	sshrl.u32 @!p0 s20, $0x3;
	[sflag:s9] =	ssyncset.done $0x0  }
0x88: {  	s24 =	simm.s32 @!p0 $0x16880;
	s22 =	sadd.s32 @!p0 s6, s20;
	[sflag:s9] =	ssyncadd.s32 $0xFFFFF800  }
0x89: {  	[tilespmem:s24], [sflag:$0x4] =	stream.linear.gather @!p0 [hbm4b:s22+s23], $0x80, $0x38;
	[tilespmem:$0x1F200] =	vst v63  }
0x8a: {  	s20 =	sadd.s32 @!p0 s7, s20;
	s22 =	simm.s32 @!p0 $0x16980  }
0x8b: {  	[tilespmem:s22], [sflag:$0x4] =	stream.linear.gather @!p0 [hbm4b:s20+s23], $0x80, $0x38;
	[tilespmem:$0x1F200] =	vst v63  }
.LBB2_10:
0x8c: {  	p0 =	sne.s32 s26, s21  }
.Ltmp5:
0x8d: {  	_ = 	snop;
	(pc) =	sbr.rel @!p0 .LBB2_11-.Ltmp5, $2  }
0x8e: {  	_ =	sdelay $0x2  }
0x8f: {  	s28 =	sadd.s32 $0x2000, s28  }
.LBB2_6:
0x90: {  	p0 =	sge.u32 s21, s29  }
0x91: {  	s20 =	smov.u32 s21;
	s21 =	simm.s32 @!p0 $0x4  }
0x92: {  	_ =	swait.ge @!p0 [sflag:s21], $0x80  }
0x93: {  	[sflag:s21] =	ssyncset.done @!p0 $0x0  }
0x94: {  	[sflag:s21] =	ssyncadd.s32 @!p0 $0xFFFFFF80  }
0x95: {  	_ =	swait.ge @!p0 [sflag:s21], $0x80  }
0x96: {  	s22 =	simm.s32 @!p0 $0x16880;
	[sflag:s21] =	ssyncset.done @!p0 $0x0  }
0x97: {  	s23 =	simm.s32 @!p0 $0x1AA00;
	[sflag:s21] =	ssyncadd.s32 @!p0 $0xFFFFFF80;
	s21 =	simm.s32 @!p0 $0x80  }
0x98: {  	[tilespmem:s23], [sflag:$0x2] =	stream.indirect.gather @!p0 [hbm4b:s1+s21], $0x80, s22, s21, $0xb8;
	[tilespmem:$0x1F200] =	vst v63  }
0x99: {  	_ =	swait.ge [sflag:s15], $0x4000  }
0x9a: {  	[sflag:s15] =	ssyncset.done $0x0  }
0x9b: {  	[sflag:s15] =	ssyncadd.s32 $0xFFFFC000  }
0x9c: {  	[spmem:s3] =	stream.indirect.scatter.add.f32 [tilespmem:s2], [sflag:$0x5], $0x80, s31, s12, $0xb8;
	[tilespmem:$0x1F200] =	vst v63  }
0x9d: {  	s21 =	sadd.s32 $0x2, s20;
	_ =	swait.ge [sflag:s9], $0x4000  }
0x9e: {  	p1 =	sge.u32 s21, s8;
	[sflag:s9] =	ssyncset.done $0x0  }
.Ltmp6:
0x9f: {  	[sflag:s9] =	ssyncadd.s32 $0xFFFFC000;
	(pc) =	sbr.rel @p1 .LBB2_13-.Ltmp6, $4  }
0xa0: {  	[spmem:s4] =	stream.indirect.scatter.add.f32 [tilespmem:s10], [sflag:$0x5], $0x10, s31, s12, $0xb8;
	[tilespmem:$0x1F200] =	vst v63  }
0xa1: {  	_ =	swait.ge [sflag:s9], $0x800  }
0xa2: {  	[sflag:s9] =	ssyncset.done $0x0  }
0xa3: {  	p0 =	slt.u32 s20, s29;
	[sflag:s9] =	ssyncadd.s32 $0xFFFFF800  }
.Ltmp7:
0xa4: {  	s22 =	sshrl.u32 s28, $0x3;
	(pc) =	sbr.rel @!p0 .LBB2_10-.Ltmp7, $4  }
0xa5: {  	s23 =	sadd.s32 s6, s22  }
0xa6: {  	[tilespmem:s30], [sflag:$0x3] =	stream.linear.gather [hbm4b:s23+s5], $0x80, $0x38;
	[tilespmem:$0x1F200] =	vst v63  }
0xa7: {  	s22 =	sadd.s32 s7, s22  }
0xa8: {  	[tilespmem:s31], [sflag:$0x3] =	stream.linear.gather [hbm4b:s22+s5], $0x80, $0x38;
	[tilespmem:$0x1F200] =	vst v63  }
0xa9: {  	_ =	swait.ge [sflag:s11], $0x80  }
0xaa: {  	[sflag:s11] =	ssyncset.done $0x0  }
.Ltmp8:
0xab: {  	[sflag:s11] =	ssyncadd.s32 $0xFFFFFF80;
	(pc) =	sbr.rel .LBB2_9-.Ltmp8, $4  }
0xac: {  	_ =	swait.ge [sflag:s11], $0x80  }
0xad: {  	[sflag:s11] =	ssyncset.done $0x0  }
0xae: {  	[sflag:s11] =	ssyncadd.s32 $0xFFFFFF80  }
0xaf: {  	[tilespmem:s2], [sflag:$0x1] =	stream.indirect.gather [hbm4b:s1+s12], $0x80, s30, s12, $0xb8;
	[tilespmem:$0x1F200] =	vst v63  }
.LBB2_13:
.Ltmp9:
0xb0: {  	(pc) =	sbr.rel @p0 .LBB2_9-.Ltmp9, $4  }
.Ltmp10:
0xb1: {  	(pc) =	sbr.rel @!p0 .LBB2_10-.Ltmp10, $4  }
0xb2: {  	_ = 	snop  }
0xb3: {  	_ = 	snop  }
0xb4: {  	_ = 	snop  }
0xb5: {  	_ = 	snop  }
.LBB2_12:
0xb6: {  	_ =	sfence.sel $0x180000  }
0xb7: {  	[bflag:$0x0] =	sbarrier.arrive $0xFFFF  }
0xb8: {  	_ =	strace $0x90000047  }
0xb9: {  	s0 =	stileid.u32;
	[bflag:$0x2] =	sbarrier.arrive $0xFFFF  }
0xba: {  	p0 =	sne.s32 s0, $0x0;
	s0 =	rddreg [dreg:$0x4]  }
0xbb: {  	s0 =	sadd.s32 @!p0 $0x100000, s0  }
0xbc: {  	[sflag:s0] =	ssyncadd.tile.s32 @!p0 $0x1;
	_ =	shalt  }
.Lfunc_end2:
_tile_overlayer_lowered:
.L_overlay_start_2:
0xbd: {  	(tag) =	ssettag $0x2  }
0xbe: {  	s0 =	rddreg [dreg:$0x0];
	s2 =	stileid.u32  }
0xbf: {  	s1 =	rddreg [dreg:$0x1];
	p0 =	sne.s32 s2, $0x0  }
0xc0: {  	s3 =	rddreg [dreg:$0x2];
	[bflag:$0x3] =	sbarrier.arrive $0xFFFF;
	s2 =	simm.s32 @!p0 $0x1C05  }
0xc1: {  	[timem:s3], [sflag:s2] =	dma.local @!p0 [hbm:s0], s1  }
0xc2: {  	s0 =	simm.s32 @!p0 $0x5  }
0xc3: {  	_ =	swait.ge @!p0 [sflag:s0], s1  }
0xc4: {  	s1 =	ssub.s32 @!p0 $0x0, s1;
	[sflag:s0] =	ssyncset.done @!p0 $0x0  }
0xc5: {  	[sflag:s0] =	ssyncadd.s32 @!p0 s1  }
0xc6: {  	[bflag:$0x3] =	sbarrier.arrive $0xFFFF  }
0xc7: {  	_ =	shalt  }

// kernel: sc_segsum_d64.3.cloned.1.call-start
scs
__scs_entry_jumppad:
0x0: {  	(pc) =	sbr.rel $0x88, $3  }
0x1: {  	(tag) =	ssettag $0x0;
	lr =	simm.s32 $0x1  }
0x2: {  	[smem:$0x3F97] =	sst lr;
	_ =	strace $0xD0000000  }
0x3: {  	_ = 	snop  }
0x4: {  	_ = 	snop  }
0x5: {  	_ = 	snop  }
0x6: {  	_ = 	snop  }
0x7: {  	_ = 	snop  }
__scs_overlays_trampoline_lowered:
0x8: {  	[smem:$0x3FA6] =	sst s0  }
0x9: {  	[smem:$0x3FA7] =	sst s1  }
0xa: {  	[smem:$0x3FA8] =	sst s2  }
0xb: {  	[smem:$0x3FA9] =	sst s3  }
0xc: {  	[smem:$0x3FAA] =	sst s4  }
0xd: {  	[smem:$0x3FAB] =	sst s5  }
0xe: {  	[smem:$0x3FAC] =	sst s6  }
0xf: {  	[smem:$0x3FAD] =	sst s7  }
0x10: {  	[smem:$0x3FAE] =	sst s8  }
0x11: {  	[smem:$0x3FAF] =	sst s9;
	s0 =	simm.s32 @!p0 $0x0  }
0x12: {  	s1 =	sld [smem:$0x3F95];
	s0 =	simm.s32 @p0 $0x1  }
0x13: {  	[smem:$0x3FB0] =	sst s0;
	s0 =	simm.s32 @!p1 $0x0  }
0x14: {  	s2 =	sld [smem:$0x3F94];
	s0 =	simm.s32 @p1 $0x1  }
0x15: {  	[smem:$0x3FB1] =	sst s0;
	s0 =	simm.s32 @!p2 $0x0  }
0x16: {  	s3 =	sld [smem:$0x3FDB];
	s0 =	simm.s32 @p2 $0x1  }
0x17: {  	s4 =	simm.s32 $0x1BF5;
	[smem:$0x3FB3] =	sst s0  }
0x18: {  	s0 =	sld [smem:$0x3F96];
	_ =	swait.ge [sflag:s4], $0x0  }
0x19: {  	s7 =	sld [smem:$0x3F97]  }
0x1a: {  	s8 =	sadd.s32 $0xFFFFE003, lr  }
0x1b: {  	s9 =	sadd.s32 $0xFFFFFEF7, lr;
	s5 =	simm.s32 $0xFFFFFFFF;
	p2 =	slt.u32 s8, $0xFFFFF086  }
0x1c: {  	p1 =	slt.u32 s9, $0xF7A;
	s5 =	simm.s32 @!p2 $0x0  }
0x1d: {  	s5 =	simm.s32 @p1 $0x1;
	p0 =	seq.s32 s7, s2  }
0x1e: {  	s7 =	smul.u32 @!p0 $0xF7A, s2;
	p2 =	seq.s32 @!p0 s5, $0x0  }
0x1f: {  	s9 =	smul.u32 $0xF7A, s1;
	s8 =	simm.s32 @!p0 $0x1BF5;
	p2 =	por !p2, p0  }
0x20: {  	[sflag:s8] =	ssyncset.s32 @!p0 $0xFFFFF086;
	s6 =	sadd.s32 @!p0 s3, s7;
	s7 =	simm.s32 @!p0 $0x108  }
0x21: {  	s3 =	sadd.s32 s3, s9;
	s6 =	sadd.s32 @!p0 $0x88, s6;
	s7 =	simm.s32 @p2 $0x1082  }
0x22: {  	[simem:s7], [sflag:s8] =	dma.local @!p0 [hbm:s6], $0xF7A  }
0x23: {  	s9 =	sor.u32 $0xD0000000, s2;
	s6 =	simm.s32 $0x108;
	_ =	swait.ge @!p0 [sflag:s8], $0x0  }
0x24: {  	s3 =	sadd.s32 $0x88, s3;
	s6 =	simm.s32 @!p1 $0x1082;
	[sflag:s4] =	ssyncset.s32 $0xFFFFF086  }
0x25: {  	[simem:s6], [sflag:s4] =	dma.local [hbm:s3], $0xF7A  }
0x26: {  	[smem:$0x3F97] =	sst s1;
	(tag) =	ssettag s2;
	_ =	strace s9  }
0x27: {  	s1 =	sld [smem:$0x3FA7]  }
0x28: {  	s2 =	sld [smem:$0x3FA8]  }
0x29: {  	s4 =	sld [smem:$0x3FAA]  }
0x2a: {  	p0 =	seq.s32 s5, $0x0;
	s5 =	sld [smem:$0x3FAB]  }
0x2b: {  	s6 =	sld [smem:$0x3FAC]  }
0x2c: {  	s7 =	sld [smem:$0x3FAD]  }
0x2d: {  	s3 =	simm.s32 $0x108;
	s8 =	sld [smem:$0x3FAE]  }
0x2e: {  	s3 =	simm.s32 @!p0 $0x1082;
	s9 =	sld [smem:$0x3FAF]  }
0x2f: {  	lr =	sadd.s32 s0, s3;
	s0 =	sld [smem:$0x3FA6]  }
0x30: {  	s3 =	sld [smem:$0x3FA9]  }
0x31: {  	[smem:$0x3FB2] =	sst s10  }
0x32: {  	s10 =	sld [smem:$0x3FB0];
	_ =	sdelay $0x3  }
0x33: {  	p0 =	seq.s32 s10, $0x1;
	s10 =	sld [smem:$0x3FB2];
	_ =	sdelay $0x3  }
0x34: {  	[smem:$0x3FB2] =	sst s10  }
0x35: {  	s10 =	sld [smem:$0x3FB1];
	_ =	sdelay $0x3  }
0x36: {  	p1 =	seq.s32 s10, $0x1;
	s10 =	sld [smem:$0x3FB2];
	_ =	sdelay $0x3  }
0x37: {  	[smem:$0x3FB2] =	sst s10  }
0x38: {  	s10 =	sld [smem:$0x3FB3]  }
0x39: {  	_ = 	snop;
	(pc) =	sbr.ind lr, $3  }
0x3a: {  	_ = 	snop  }
0x3b: {  	_ = 	snop  }
0x3c: {  	p2 =	seq.s32 s10, $0x1;
	s10 =	sld [smem:$0x3FB2]  }
0x3d: {  	_ =	shalt  }
0x3e: {  	_ =	shalt  }
0x3f: {  	_ =	shalt  }
0x40: {  	_ =	shalt  }
0x41: {  	_ =	shalt  }
0x42: {  	_ =	shalt  }
0x43: {  	_ =	shalt  }
0x44: {  	_ =	shalt  }
0x45: {  	_ =	shalt  }
0x46: {  	_ =	shalt  }
0x47: {  	_ =	shalt  }
0x48: {  	_ =	shalt  }
0x49: {  	_ =	shalt  }
0x4a: {  	_ =	shalt  }
0x4b: {  	_ =	shalt  }
0x4c: {  	_ =	shalt  }
0x4d: {  	_ =	shalt  }
0x4e: {  	_ =	shalt  }
0x4f: {  	_ =	shalt  }
0x50: {  	_ =	shalt  }
0x51: {  	_ =	shalt  }
0x52: {  	_ =	shalt  }
0x53: {  	_ =	shalt  }
0x54: {  	_ =	shalt  }
0x55: {  	_ =	shalt  }
0x56: {  	_ =	shalt  }
0x57: {  	_ =	shalt  }
0x58: {  	_ =	shalt  }
0x59: {  	_ =	shalt  }
0x5a: {  	_ =	shalt  }
0x5b: {  	_ =	shalt  }
0x5c: {  	_ =	shalt  }
0x5d: {  	_ =	shalt  }
0x5e: {  	_ =	shalt  }
0x5f: {  	_ =	shalt  }
0x60: {  	_ =	shalt  }
0x61: {  	_ =	shalt  }
0x62: {  	_ =	shalt  }
0x63: {  	_ =	shalt  }
0x64: {  	_ =	shalt  }
0x65: {  	_ =	shalt  }
0x66: {  	_ =	shalt  }
0x67: {  	_ =	shalt  }
0x68: {  	_ =	shalt  }
0x69: {  	_ =	shalt  }
0x6a: {  	_ =	shalt  }
0x6b: {  	_ =	shalt  }
0x6c: {  	_ =	shalt  }
0x6d: {  	_ =	shalt  }
0x6e: {  	_ =	shalt  }
0x6f: {  	_ =	shalt  }
0x70: {  	_ =	shalt  }
0x71: {  	_ =	shalt  }
0x72: {  	_ =	shalt  }
0x73: {  	_ =	shalt  }
0x74: {  	_ =	shalt  }
0x75: {  	_ =	shalt  }
0x76: {  	_ =	shalt  }
0x77: {  	_ =	shalt  }
0x78: {  	_ =	shalt  }
0x79: {  	_ =	shalt  }
0x7a: {  	_ =	shalt  }
0x7b: {  	_ =	shalt  }
0x7c: {  	_ =	shalt  }
0x7d: {  	_ =	shalt  }
0x7e: {  	_ =	shalt  }
0x7f: {  	_ =	shalt  }
0x80: {  	_ =	shalt  }
0x81: {  	_ =	shalt  }
0x82: {  	_ =	shalt  }
0x83: {  	_ =	shalt  }
0x84: {  	_ =	shalt  }
0x85: {  	_ =	shalt  }
0x86: {  	_ =	shalt  }
0x87: {  	_ =	shalt  }
.Lfunc_end0:
.L_simem_size_0:
called_computation.1_lowered:
.L_overlay_start_0:
0x88: {  	s2 =	sld [smem:$0x3FD9]  }
0x89: {  	s3 =	sld [smem:$0x3FFE];
	_ =	sdelay $0x1  }
0x8a: {  	s1 =	srdreg.scid  }
0x8b: {  	s0 =	sand.u32 $0x1, s1  }
0x8c: {  	s16 =	sshll.u32 s0, $0xA;
	s2 =	sadd.s32 s3, s2  }
0x8d: {  	s2 =	sadd.s32 s2, s16  }
0x8e: {  	[smem:$0x3FBE] =	sst s2  }
0x8f: {  	_ = 	snop  }
0x90: {  	(tm) =	ssettm $0x1  }
0x91: {  	s17 =	sld [smem:$0x3FFB];
	_ =	sdelay $0x3  }
0x92: {  	_ =	strace s17  }
0x93: {  	s2 =	sld [smem:$0x3FFC];
	_ =	sdelay $0x3  }
0x94: {  	_ =	strace s2  }
0x95: {  	s2 =	sld [smem:$0x3FFD];
	_ =	sdelay $0x3  }
0x96: {  	_ =	strace s2  }
0x97: {  	_ =	strace $0x8FFFFFFF  }
0x98: {  	s18 =	sld [smem:$0x3FDB];
	_ =	sdelay $0x1  }
0x99: {  	s19 =	simm.s32 $_scs_section_size  }
0x9a: {  	s4 =	simm.s32 $_size__tile_overlayer_lowered;
	s5 =	simm.s32 $_tile_overlayer_lowered  }
0x9b: {  	s22 =	simm.s32 $0x1BFF;
	s21 =	sshll.u32 s5, $0x1;
	s2 =	sadd.s32 s19, s18  }
0x9c: {  	s6 =	simm.s32 $0x0;
	s20 =	sshll.u32 s4, $0x1;
	s4 =	sadd.s32 s21, s2  }
0x9d: {  	[timem:s6], [sflag:s22] =	dma.local [hbm:s4], s20  }
0x9e: {  	_ =	swait.ge [sflag:s22], s20  }
0x9f: {  	s3 =	ssub.s32 $0x0, s20;
	[sflag:s22] =	ssyncset.done $0x0  }
0xa0: {  	[sflag:s22] =	ssyncadd.s32 s3;
	_ =	sdelay $0x1  }
0xa1: {  	s23 =	simm.s32 $0x1B8B  }
0xa2: {  	_ =	swait.ge [sflag:s23], $0x1  }
0xa3: {  	[sflag:s23] =	ssyncset.done $0x0  }
0xa4: {  	s25 =	simm.s32 $0x1B8E;
	s24 =	sld [smem:$0x3FFE];
	[sflag:s23] =	ssyncadd.s32 $0xFFFFFFFF  }
0xa5: {  	s26 =	simm.s32 $execute0_lowered;
	[smem:$0x3FD2] =	sst s25  }
0xa6: {  	s4 =	sshll.u32 s26, $0x1;
	_ =	strace $0x80000049;
	[dreg:$0x1] =	wrdreg $0xFFFFFFFF  }
0xa7: {  	s28 =	simm.s32 $_size_execute0_lowered;
	s2 =	sadd.s32 s2, s4;
	[dreg:$0x0] =	wrdreg $0x0  }
0xa8: {  	s4 =	sshll.u32 s28, $0x1;
	[dreg:$0x2] =	wrdreg s2  }
0xa9: {  	[dreg:$0x3] =	wrdreg s4  }
0xaa: {  	[dreg:$0x4] =	wrdreg $0xC0  }
0xab: {  	_ =	task [dreg:s6], $0x5FFFF  }
0xac: {  	[dreg:$0x1] =	wrdreg $0xFFFFFFFF  }
0xad: {  	[dreg:$0x0] =	wrdreg $0x60  }
0xae: {  	[dreg:$0x2] =	wrdreg s24  }
0xaf: {  	[dreg:$0x3] =	wrdreg $0x0  }
0xb0: {  	[dreg:$0x4] =	wrdreg $0x9  }
0xb1: {  	_ =	task.clear_ibuf [dreg:s6], $0x5FFFF;
	_ =	strace $0x90000049  }
0xb2: {  	s29 =	simm.s32 $0x9;
	_ =	strace $0x8000004B  }
0xb3: {  	_ =	swait.ge [sflag:s29], $0x1  }
0xb4: {  	[sflag:s29] =	ssyncadd.s32 $0xFFFFFFFF  }
0xb5: {  	_ =	strace $0x9000004B  }
0xb6: {  	_ =	sfence  }
0xb7: {  	s30 =	sld [smem:$0x0];
	_ =	sdelay $0x2  }
0xb8: {  	s31 =	sshll.u32 s1, $0xD;
	s1 =	sshrl.u32 s1, $0x2  }
0xb9: {  	s3 =	sand.u32 $0x4000, s31;
	s1 =	sadd.s32 s1, s30  }
0xba: {  	s0 =	sor.u32 s3, s0;
	s1 =	sshll.u32 s1, $0x11  }
0xbb: {  	s0 =	sor.u32 s1, s0  }
0xbc: {  	s0 =	sadd.s32 $0x8F2B, s0  }
0xbd: {  	[sflag:s0] =	ssyncadd.remote.s32 $0x1  }
0xbe: {  	_ =	sfence.sel $0xFFFF  }
0xbf: {  	[dreg:$0x0] =	wrdreg $0xFFFFFFFF;
	(pc) =	sbr.abs _section_cstart, $3  }
0xc0: {  	[dreg:$0x1] =	wrdreg $0xFFFFFFFF  }
0xc1: {  	_ =	task.clear_ibuf [dreg:s6], $0x2FFFF;
	_ =	strace $0x9FFFFFFF  }
0xc2: {  	(tm) =	ssettm $0x7FFFFFFF  }
0xc3: {  	_ =	shalt  }
tec
execute0_lowered:
.L_overlay_start_1:
0x0: {  	(tag) =	ssettag $0x1  }
0x1: {  	s0 =	rddreg [dreg:$0x0]  }
0x2: {  	s2 =	rddreg [dreg:$0x1]  }
0x3: {  	s1 =	srdreg.scid;
	s13 =	stileid.u32  }
0x4: {  	s3 =	simm.s32 $0x0;
	s28 =	simm.s32 $0x5;
	s29 =	simm.s32 $0x3  }
0x5: {  	s30 =	simm.s32 $0x80;
	s31 =	simm.s32 $0x1;
	s1 =	sand.u32 $0x1, s1  }
0x6: {  	s8 =	smul.u32 $0xA000, s13;
	[smem:$0x7FF] =	sst s3;
	s4 =	sadd.s32 $0x15200, s0  }
0x7: {  	s5 =	sadd.s32 $0xB400, s0;
	s9 =	sshll.u32 s13, $0x1;
	s12 =	smul.u32 $0x28000, s13  }
0x8: {  	s25 =	sshll.u32 s13, $0x8;
	s6 =	smul.u32 $0xA0000, s1;
	_ =	strace $0x8000004A  }
0x9: {  	s18 =	ssub.s32 $0x2, s1;
	s9 =	sor.u32 s1, s9;
	s1 =	sshll.u32 s1, $0x7  }
0xa: {  	s10 =	sshrl.u32 s18, $0x1;
	s11 =	ssub.s32 $0x9E3, s9;
	s9 =	sshll.u32 s9, $0x4  }
0xb: {  	s12 =	sshrl.u32 s12, $0x2;
	s1 =	sor.u32 s1, s25;
	s25 =	simm.s32 $0xA180  }
0xc: {  	s7 =	sadd.s32 s8, s6;
	s6 =	sadd.s32 $0x1600, s0;
	s10 =	ssub.s32 s18, s10  }
0xd: {  	s19 =	sadd.s32 s5, s9;
	s20 =	sor.u32 $0x200, s9;
	s22 =	sadd.s32 s12, s2  }
0xe: {  	s12 =	sadd.s32 s8, s2;
	s8 =	sor.u32 $0x2000, s1;
	s1 =	simm.s32 $0xC200  }
0xf: {  	s7 =	sshrl.u32 s7, $0x3;
	[dreg:$0x3] =	wrdreg s19;
	s9 =	sadd.s32 s6, s9  }
0x10: {  	s21 =	sadd.s32 s5, s20;
	s23 =	sadd.s32 $0x2000, s22;
	s24 =	sadd.s32 $0x4000, s22  }
0x11: {  	s15 =	sadd.s32 $0x6000, s22;
	s16 =	sadd.s32 $0x8000, s22;
	[dreg:$0x4] =	wrdreg s9  }
0x12: {  	s19 =	smax.u32 s10, $0x1;
	s22 =	simm.s32 $0xA000;
	[dreg:$0x5] =	wrdreg s21  }
.Ltmp0:
0x13: {  	s0 =	sadd.s32 s7, s0;
	[dreg:$0x7] =	wrdreg s23;
	(pc) =	sbr.rel .LBB2_1-.Ltmp0, $4  }
0x14: {  	s7 =	sshrl.u32 s11, $0x5;
	s11 =	sadd.s32 s6, s20;
	[dreg:$0x8] =	wrdreg s24  }
0x15: {  	s23 =	simm.s32 $0xA100;
	s24 =	simm.s32 $0x0;
	[dreg:$0x6] =	wrdreg s11  }
0x16: {  	s17 =	sadd.s32 $0xFFFFFFFF, s7;
	s18 =	sadd.s32 $0x28C00, s0;
	s26 =	sadd.s32 $0x1, s7  }
0x17: {  	v0 =	vimm.f32 $0.0e+00;
	s0 =	simm.s32 $0x2;
	s20 =	sand.u32 $0x5E, s26;
	s26 =	simm.s32 $0xA200  }
.LBB2_9:
0x18: {  	s9 =	stileid.u32;
	s24 =	sadd.s32 $0x1, s24  }
0x19: {  	[bflag:$0x0] =	sbarrier.arrive $0xFFFF;
	s9 =	sshll.u32 s9, $0x6;
	p0 =	sne.s32 s24, s19  }
.Ltmp1:
0x1a: {  	s10 =	sshrl.u32 s12, $0x3;
	s9 =	sor.u32 $0x1C05, s9;
	(pc) =	sbr.rel @!p0 .LBB2_10-.Ltmp1, $4  }
0x1b: {  	[hbm:s18], [sflag:s9] =	dma.local [spmem:s10], $0x1400  }
0x1c: {  	_ =	swait.ge [sflag:s28], $0x1400  }
0x1d: {  	[sflag:s28] =	ssyncset.done $0x0  }
0x1e: {  	[sflag:s28] =	ssyncadd.s32 $0xFFFFEC00  }
.LBB2_1:
0x1f: {  	s9 =	rddreg [dreg:$0x3]  }
0x20: {  	[tilespmem:s22], [sflag:$0x3] =	stream.linear.gather [hbm4b:s9+s3], $0x80, $0x38;
	[tilespmem:$0xE200] =	vst v63  }
0x21: {  	s13 =	rddreg [dreg:$0x4]  }
0x22: {  	[tilespmem:s23], [sflag:$0x3] =	stream.linear.gather [hbm4b:s13+s3], $0x80, $0x38;
	[tilespmem:$0xE200] =	vst v63  }
0x23: {  	s14 =	rddreg [dreg:$0x5];
	s10 =	simm.s32 $0xA080  }
0x24: {  	[tilespmem:s10], [sflag:$0x4] =	stream.linear.gather [hbm4b:s14+s3], $0x80, $0x38;
	[tilespmem:$0xE200] =	vst v63  }
0x25: {  	s21 =	rddreg [dreg:$0x6];
	s9 =	simm.s32 $0x0;
	s10 =	simm.s32 $0x100  }
0x26: {  	[tilespmem:s25], [sflag:$0x4] =	stream.linear.gather [hbm4b:s21+s3], $0x80, $0x38;
	[tilespmem:$0xE200] =	vst v63  }
.LBB2_2:
0x27: {  	p0 =	sne.s32 s10, $0x7F00;
	[tilespmem:s9+$0xA230] =	vst v0;
	s21 =	smov.u32 s10;
	s10 =	sadd.s32 $0x100, s10  }
.Ltmp2:
0x28: {  	[tilespmem:s9+$0xA220] =	vst v0;
	(pc) =	sbr.rel @p0 .LBB2_2-.Ltmp2, $3  }
0x29: {  	[tilespmem:s9+$0xA200] =	vst v0  }
0x2a: {  	[tilespmem:s9+$0xA210] =	vst v0;
	_ =	sdelay $0x1  }
0x2b: {  	s9 =	sshra.s32 s21, $0x2  }
0x2c: {  	[tilespmem:s9+$0xA230] =	vst v0  }
0x2d: {  	[tilespmem:s9+$0xA220] =	vst v0  }
0x2e: {  	[tilespmem:s9+$0xA200] =	vst v0  }
0x2f: {  	[tilespmem:s9+$0xA210] =	vst v0  }
0x30: {  	[spmem:s12] =	stream.linear.scatter [tilespmem:s26], [sflag:$0x5], $0x2000, $0x38;
	[tilespmem:$0xE200] =	vst v63  }
0x31: {  	_ =	swait.ge [sflag:s28], $0x2000  }
0x32: {  	[sflag:s28] =	ssyncset.done $0x0  }
0x33: {  	s14 =	rddreg [dreg:$0x7];
	[sflag:s28] =	ssyncadd.s32 $0xFFFFE000  }
0x34: {  	[spmem:s14] =	stream.linear.scatter [tilespmem:s26], [sflag:$0x5], $0x2000, $0x38;
	[tilespmem:$0xE200] =	vst v63  }
0x35: {  	_ =	swait.ge [sflag:s28], $0x2000  }
0x36: {  	[sflag:s28] =	ssyncset.done $0x0  }
0x37: {  	s21 =	rddreg [dreg:$0x8];
	[sflag:s28] =	ssyncadd.s32 $0xFFFFE000  }
0x38: {  	[spmem:s21] =	stream.linear.scatter [tilespmem:s26], [sflag:$0x5], $0x2000, $0x38;
	[tilespmem:$0xE200] =	vst v63  }
0x39: {  	_ =	swait.ge [sflag:s28], $0x2000  }
0x3a: {  	[sflag:s28] =	ssyncset.done $0x0  }
0x3b: {  	[sflag:s28] =	ssyncadd.s32 $0xFFFFE000  }
0x3c: {  	[spmem:s15] =	stream.linear.scatter [tilespmem:s26], [sflag:$0x5], $0x2000, $0x38;
	[tilespmem:$0xE200] =	vst v63  }
0x3d: {  	_ =	swait.ge [sflag:s28], $0x2000  }
0x3e: {  	[sflag:s28] =	ssyncset.done $0x0  }
0x3f: {  	[sflag:s28] =	ssyncadd.s32 $0xFFFFE000  }
0x40: {  	[spmem:s16] =	stream.linear.scatter [tilespmem:s26], [sflag:$0x5], $0x2000, $0x38;
	[tilespmem:$0xE200] =	vst v63  }
0x41: {  	_ =	swait.ge [sflag:s28], $0x2000  }
0x42: {  	[sflag:s28] =	ssyncset.done $0x0  }
0x43: {  	[sflag:s28] =	ssyncadd.s32 $0xFFFFE000  }
0x44: {  	_ =	swait.ge [sflag:s29], $0x80  }
0x45: {  	[sflag:s29] =	ssyncset.done $0x0  }
0x46: {  	[sflag:s29] =	ssyncadd.s32 $0xFFFFFF80  }
0x47: {  	_ =	swait.ge [sflag:s29], $0x80  }
.Ltmp3:
0x48: {  	[sflag:s29] =	ssyncset.done $0x0;
	(pc) =	sbr.rel .LBB2_4-.Ltmp3, $4  }
0x49: {  	[sflag:s29] =	ssyncadd.s32 $0xFFFFFF80  }
0x4a: {  	[tilespmem:s26], [sflag:$0x1] =	stream.indirect.gather [hbm4b:s4+s30], $0x40, s22, s30, $0xb8;
	[tilespmem:$0xE200] =	vst v63  }
0x4b: {  	[bflag:$0x0] =	sbarrier.arrive $0xFFFF  }
0x4c: {  	s10 =	simm.s32 $0x0;
	s21 =	smov.u32 s8  }
.LBB2_7:
0x4d: {  	_ =	swait.ge [sflag:s0], $0x2000  }
0x4e: {  	s9 =	sadd.s32 $0x3, s9;
	[sflag:s0] =	ssyncset.done $0x0  }
0x4f: {  	p0 =	sge.u32 s9, s7;
	[sflag:s0] =	ssyncadd.s32 $0xFFFFE000  }
0x50: {  	[spmem:s2] =	stream.indirect.scatter.add.f32 [tilespmem:s1], [sflag:$0x5], $0x40, s25, s30, $0xb8;
	[tilespmem:$0xE200] =	vst v63  }
0x51: {  	s9 =	sadd.s32 @!p0 $0x1000, s21;
	_ =	swait.ge [sflag:s28], $0x2000  }
0x52: {  	s13 =	simm.s32 @!p0 $0x0;
	s9 =	sshrl.u32 @!p0 s9, $0x3;
	[sflag:s28] =	ssyncset.done $0x0  }
0x53: {  	s14 =	simm.s32 @!p0 $0xA080;
	s11 =	sadd.s32 @!p0 s5, s9;
	[sflag:s28] =	ssyncadd.s32 $0xFFFFE000  }
0x54: {  	[tilespmem:s14], [sflag:$0x4] =	stream.linear.gather @!p0 [hbm4b:s11+s13], $0x80, $0x38;
	[tilespmem:$0xE200] =	vst v63  }
0x55: {  	s9 =	sadd.s32 @!p0 s6, s9;
	s11 =	simm.s32 @!p0 $0xA180  }
0x56: {  	[tilespmem:s11], [sflag:$0x4] =	stream.linear.gather @!p0 [hbm4b:s9+s13], $0x80, $0x38;
	[tilespmem:$0xE200] =	vst v63  }
.LBB2_8:
0x57: {  	p0 =	sne.s32 s20, s10  }
.Ltmp4:
0x58: {  	_ = 	snop;
	(pc) =	sbr.rel @!p0 .LBB2_9-.Ltmp4, $2  }
0x59: {  	_ =	sdelay $0x2  }
0x5a: {  	s21 =	sadd.s32 $0x2000, s21  }
.LBB2_4:
0x5b: {  	p0 =	sge.u32 s10, s17  }
0x5c: {  	s9 =	smov.u32 s10;
	s10 =	simm.s32 @!p0 $0x4  }
0x5d: {  	_ =	swait.ge @!p0 [sflag:s10], $0x80  }
0x5e: {  	[sflag:s10] =	ssyncset.done @!p0 $0x0  }
0x5f: {  	[sflag:s10] =	ssyncadd.s32 @!p0 $0xFFFFFF80  }
0x60: {  	_ =	swait.ge @!p0 [sflag:s10], $0x80  }
0x61: {  	s11 =	simm.s32 @!p0 $0xA080;
	[sflag:s10] =	ssyncset.done @!p0 $0x0  }
0x62: {  	s13 =	simm.s32 @!p0 $0xC200;
	[sflag:s10] =	ssyncadd.s32 @!p0 $0xFFFFFF80;
	s10 =	simm.s32 @!p0 $0x80  }
0x63: {  	[tilespmem:s13], [sflag:$0x2] =	stream.indirect.gather @!p0 [hbm4b:s4+s10], $0x40, s11, s10, $0xb8;
	[tilespmem:$0xE200] =	vst v63  }
0x64: {  	s10 =	sadd.s32 $0x2, s9;
	_ =	swait.ge [sflag:s31], $0x2000  }
0x65: {  	p1 =	sge.u32 s10, s7;
	[sflag:s31] =	ssyncset.done $0x0  }
.Ltmp5:
0x66: {  	[sflag:s31] =	ssyncadd.s32 $0xFFFFE000;
	(pc) =	sbr.rel @p1 .LBB2_11-.Ltmp5, $4  }
0x67: {  	[spmem:s2] =	stream.indirect.scatter.add.f32 [tilespmem:s26], [sflag:$0x5], $0x40, s23, s30, $0xb8;
	[tilespmem:$0xE200] =	vst v63  }
0x68: {  	_ =	swait.ge [sflag:s28], $0x2000  }
0x69: {  	[sflag:s28] =	ssyncset.done $0x0  }
0x6a: {  	p0 =	slt.u32 s9, s17;
	[sflag:s28] =	ssyncadd.s32 $0xFFFFE000  }
.Ltmp6:
0x6b: {  	s11 =	sshrl.u32 s21, $0x3;
	(pc) =	sbr.rel @!p0 .LBB2_8-.Ltmp6, $4  }
0x6c: {  	s13 =	sadd.s32 s5, s11  }
0x6d: {  	[tilespmem:s22], [sflag:$0x3] =	stream.linear.gather [hbm4b:s13+s3], $0x80, $0x38;
	[tilespmem:$0xE200] =	vst v63  }
0x6e: {  	s11 =	sadd.s32 s6, s11  }
0x6f: {  	[tilespmem:s23], [sflag:$0x3] =	stream.linear.gather [hbm4b:s11+s3], $0x80, $0x38;
	[tilespmem:$0xE200] =	vst v63  }
0x70: {  	_ =	swait.ge [sflag:s29], $0x80  }
0x71: {  	[sflag:s29] =	ssyncset.done $0x0  }
.Ltmp7:
0x72: {  	[sflag:s29] =	ssyncadd.s32 $0xFFFFFF80;
	(pc) =	sbr.rel .LBB2_7-.Ltmp7, $4  }
0x73: {  	_ =	swait.ge [sflag:s29], $0x80  }
0x74: {  	[sflag:s29] =	ssyncset.done $0x0  }
0x75: {  	[sflag:s29] =	ssyncadd.s32 $0xFFFFFF80  }
0x76: {  	[tilespmem:s26], [sflag:$0x1] =	stream.indirect.gather [hbm4b:s4+s30], $0x40, s22, s30, $0xb8;
	[tilespmem:$0xE200] =	vst v63  }
.LBB2_11:
.Ltmp8:
0x77: {  	(pc) =	sbr.rel @p0 .LBB2_7-.Ltmp8, $4  }
.Ltmp9:
0x78: {  	(pc) =	sbr.rel @!p0 .LBB2_8-.Ltmp9, $4  }
0x79: {  	_ = 	snop  }
0x7a: {  	_ = 	snop  }
0x7b: {  	_ = 	snop  }
0x7c: {  	_ = 	snop  }
.LBB2_10:
0x7d: {  	_ =	sfence.sel $0x180000  }
0x7e: {  	[bflag:$0x0] =	sbarrier.arrive $0xFFFF  }
0x7f: {  	_ =	strace $0x9000004A  }
0x80: {  	s0 =	stileid.u32;
	[bflag:$0x2] =	sbarrier.arrive $0xFFFF  }
0x81: {  	p0 =	sne.s32 s0, $0x0;
	s0 =	rddreg [dreg:$0x2]  }
0x82: {  	s0 =	sadd.s32 @!p0 $0x100000, s0  }
0x83: {  	[sflag:s0] =	ssyncadd.tile.s32 @!p0 $0x1;
	_ =	shalt  }
.Lfunc_end2:
_tile_overlayer_lowered:
.L_overlay_start_2:
0x84: {  	(tag) =	ssettag $0x2  }
0x85: {  	s0 =	rddreg [dreg:$0x0];
	s2 =	stileid.u32  }
0x86: {  	s1 =	rddreg [dreg:$0x1];
	p0 =	sne.s32 s2, $0x0  }
0x87: {  	s3 =	rddreg [dreg:$0x2];
	[bflag:$0x3] =	sbarrier.arrive $0xFFFF;
	s2 =	simm.s32 @!p0 $0x1C05  }
0x88: {  	[timem:s3], [sflag:s2] =	dma.local @!p0 [hbm:s0], s1  }
0x89: {  	s0 =	simm.s32 @!p0 $0x5  }
0x8a: {  	_ =	swait.ge @!p0 [sflag:s0], s1  }
0x8b: {  	s1 =	ssub.s32 @!p0 $0x0, s1;
	[sflag:s0] =	ssyncset.done @!p0 $0x0  }
0x8c: {  	[sflag:s0] =	ssyncadd.s32 @!p0 s1  }
0x8d: {  	[bflag:$0x3] =	sbarrier.arrive $0xFFFF  }
0x8e: {  	_ =	shalt  }

</sc_bundles>
